<compile_context>
chip_gen: v7x
topology: tpu7x:2x2x1
jax: 0.10.2.dev20260603
libtpu: 0.0.44.dev20260713+nightly
codegen_flags: <defaults>
</compile_context>

<pallas_src>
import functools

import numpy as np
import jax
import jax.numpy as jnp
from jax import lax
from jax.experimental import pallas as pl
from jax.experimental.pallas import tpu as pltpu
from jax.experimental.pallas import tpu_sc as plsc

_D = 10
_HW = 224
_NPIX = 2 * _HW * _HW
_LAYERS = ((96, 56), (192, 28), (384, 14))

_NC, _NS = 2, 16
_NW = _NC * _NS
_CHUNK = _NPIX // _NW
_NV = _CHUNK // 16


def _wmat(in_size):
    c = (np.arange(_HW) + 0.5) * in_size / _HW - 0.5
    w = np.maximum(0.0, 1.0 - np.abs(c[:, None] - np.arange(in_size)[None, :]))
    return (w / w.sum(1, keepdims=True)).astype(np.float32)


_WX = {h: _wmat(h) for _, h in _LAYERS}
_WYT = {h: _wmat(h).T.copy() for _, h in _LAYERS}


def _sc_build():
    mesh = plsc.VectorSubcoreMesh(core_axis_name="c", subcore_axis_name="s")

    @functools.partial(
        pl.kernel, mesh=mesh,
        out_type=jax.ShapeDtypeStruct((_NW, _D, 16), jnp.float32),
        scratch_types=[
            pltpu.VMEM((_CHUNK,), jnp.float32),
            pltpu.VMEM((16, 16), jnp.float32),
            pltpu.VMEM((_D, 16), jnp.float32),
        ],
    )
    def sc_kern(dep_hbm, edges_hbm, part_hbm, dvm, evm, cvm):
        wid = lax.axis_index("s") * _NC + lax.axis_index("c")
        base = wid * _CHUNK
        pltpu.sync_copy(dep_hbm.at[pl.ds(base, _CHUNK)], dvm)
        pltpu.sync_copy(edges_hbm, evm)

        ones_f = jnp.ones((16,), jnp.float32)
        zero_f = jnp.zeros((16,), jnp.float32)

        def body(j, accs):
            v = dvm[pl.ds(j * 16, 16)]
            return tuple(acc + jnp.where(v >= evm[k], ones_f, zero_f)
                         for k, acc in zip(range(1, _D), accs))

        accs = lax.fori_loop(
            0, _NV, body,
            tuple(jnp.zeros((16,), jnp.float32) for _ in range(_D - 1)),
            unroll=8)
        cvm[0] = np.float32(_NV) - accs[0]
        for dd in range(1, _D - 1):
            cvm[dd] = accs[dd - 1] - accs[dd]
        cvm[_D - 1] = accs[_D - 2]
        pltpu.sync_copy(cvm, part_hbm.at[wid])

    return sc_kern


def _c1_body(dref, wx1, wyt1, wx2, wyt2, wx3, wyt3, o1, o2, o3, eref):
    d3 = dref[...]
    mn = jnp.min(d3)
    mx = jnp.max(d3)
    step = (mx - mn) / np.float32(_D)
    io = lax.broadcasted_iota(jnp.int32, (16, 128), 0).astype(jnp.float32)
    eref[...] = mn + step * io
    bi = jnp.zeros(d3.shape, jnp.int32)
    for k in range(1, _D):
        bi = bi + (d3 >= mn + step * np.float32(k)).astype(jnp.int32)
    for b in range(2):
        bib = bi[b]
        tall = jnp.concatenate(
            [(bib == dd).astype(jnp.float32) for dd in range(_D)], axis=0)
        for wxr, wytr, oref in ((wx1, wyt1, o1), (wx2, wyt2, o2),
                                (wx3, wyt3, o3)):
            t1 = jnp.dot(tall, wxr[...])
            wide = jnp.concatenate(
                [t1[dd * _HW:(dd + 1) * _HW, :] for dd in range(_D)], axis=1)
            oref[b] = jnp.dot(wytr[...], wide)


def _c2_body(a1, b1, a2, b2, a3, b3, pref, out):
    cnt = jnp.sum(pref[...], axis=(0, 2))
    inv = 1.0 / jnp.maximum(cnt, np.float32(1e-6))
    out[...] = jnp.zeros((3, 384, _D), jnp.float32)
    out[0, 0:96, :] = (jnp.dot(a1[0], b1[0]) + jnp.dot(a1[1], b1[1])) * inv
    out[1, 0:192, :] = (jnp.dot(a2[0], b2[0]) + jnp.dot(a2[1], b2[1])) * inv
    out[2, :, :] = (jnp.dot(a3[0], b3[0]) + jnp.dot(a3[1], b3[1])) * inv


def kernel(fmap1, fmap2, fmap3, depths):
    d3 = depths.reshape(2, _HW, _HW)
    c1_out = pl.pallas_call(
        _c1_body,
        out_shape=[
            jax.ShapeDtypeStruct((2, 56, _D * 56), jnp.float32),
            jax.ShapeDtypeStruct((2, 28, _D * 28), jnp.float32),
            jax.ShapeDtypeStruct((2, 14, _D * 14), jnp.float32),
            jax.ShapeDtypeStruct((16, 128), jnp.float32),
        ],
    )(d3,
      jnp.asarray(_WX[56]), jnp.asarray(_WYT[56]),
      jnp.asarray(_WX[28]), jnp.asarray(_WYT[28]),
      jnp.asarray(_WX[14]), jnp.asarray(_WYT[14]))

    parts = _sc_build()(depths.reshape(_NPIX), c1_out[3][:, :16])

    mats = []
    for idx, ((c, h), o) in enumerate(zip(_LAYERS, c1_out[:3])):
        f = (fmap1, fmap2, fmap3)[idx]
        a = f.reshape(2, c, h * h)
        bm = o.reshape(2, h, _D, h).transpose(0, 1, 3, 2).reshape(2, h * h, _D)
        mats += [a, bm]

    return pl.pallas_call(
        _c2_body,
        out_shape=jax.ShapeDtypeStruct((3, 384, _D), jnp.float32),
    )(*mats, parts)

# --- scband reference (transcript-rebuilt; emitter-appended) ---
"""Pipeline reference for scband-response-compute-17300128268948 (READ-ONLY COPY).

The authoritative reference and input builder live on the scoring server;
editing this copy changes nothing except your own understanding.
"""

import jax, jax.numpy as jnp
import numpy as np

D = 10  # n_of_bins
K = 384  # max channel count across hooked conv layers


def setup_inputs(seed: int = 0) -> dict:
    key = jax.random.key(seed)
    k1, k2, k3, k4 = jax.random.split(key, 4)
    # Feature maps captured by forward hooks on the 3 conv layers (pre-interpolation)
    fmap1 = jax.random.normal(k1, (2, 96, 56, 56), dtype=jnp.float32)
    fmap2 = jax.random.normal(k2, (2, 192, 28, 28), dtype=jnp.float32)
    fmap3 = jax.random.normal(k3, (2, 384, 14, 14), dtype=jnp.float32)
    # Depth maps, strictly positive like real depth data
    depths = jax.random.uniform(k4, (2, 1, 224, 224), dtype=jnp.float32) * 10.0
    return {"fmap1": fmap1, "fmap2": fmap2, "fmap3": fmap3, "depths": depths}


def reference(fmap1, fmap2, fmap3, depths):
    # depths.squeeze(1)
    d = depths[:, 0]
    Bn, H, W = d.shape
    # F.interpolate(out, size=depths.shape[-2:], mode='bilinear', align_corners=False)
    fmaps = []
    for f in (fmap1, fmap2, fmap3):
        fmaps.append(jax.image.resize(f, (f.shape[0], f.shape[1], H, W), method='bilinear'))
    d_min = d.min()
    d_max = d.max()
    edges = jnp.linspace(d_min, d_max, D + 1)
    flat_depths = d.reshape(-1)
    # torch.bucketize(..., right=True) == searchsorted side='right'
    bin_idx = jnp.searchsorted(edges, flat_depths, side='right') - 1
    bin_idx = jnp.clip(bin_idx, 0, D - 1)
    counts = jnp.bincount(bin_idx, minlength=D, length=D).astype(jnp.float32)
    R = jnp.zeros((3, K, D), dtype=jnp.float32)
    for layer_idx, f in enumerate(fmaps):
        C = f.shape[1]
        flat_f = jnp.transpose(f.reshape(f.shape[0], C, -1), (1, 0, 2)).reshape(C, -1)
        # scatter_reduce 'sum' with include_self=False on zeros == segment_sum (empty bins -> 0)
        summed = jax.ops.segment_sum(flat_f.T, bin_idx, num_segments=D).T  # [C, D]
        R = R.at[layer_idx, :C, :].set(summed)
    denom = jnp.clip(counts, 1e-6, None).reshape(1, 1, D)
    return R / denom

if __name__ == "__main__":
    import jax
    _d = setup_inputs()
    print(jax.jit(kernel)(*tuple(_d.values())))

</pallas_src>

<mosaic_0001>
#map = affine_map<(d0, d1) -> (0)>
#map1 = affine_map<(d0, d1) -> (0, 0)>
#map2 = affine_map<(d0, d1) -> (0, 0, 0)>
module attributes {stable_mosaic.version = 14 : i64} {
  func.func @sc_kern(%arg0: i32, %arg1: i32, %arg2: memref<100352xf32, #tpu.memory_space<hbm>>, %arg3: memref<16x16xf32, #tpu.memory_space<hbm>>, %arg4: memref<32x10x16xf32, #tpu.memory_space<hbm>>, %arg5: memref<3136xf32, #tpu.memory_space<vmem>>, %arg6: memref<16x16xf32, #tpu.memory_space<vmem>>, %arg7: memref<10x16xf32, #tpu.memory_space<vmem>>) attributes {dimension_semantics = [#tpu.dimension_semantics<core_parallel>, #tpu.dimension_semantics<subcore_parallel>], iteration_bounds = array<i64: 2, 16>, scalar_prefetch = 0 : i64, scratch_operands = 3 : i64, tpu.core_type = #tpu.core_type<sc_vector_subcore>, window_params = [{transform_indices = #map}, {transform_indices = #map1}, {transform_indices = #map2}]} {
    %mul3A = arith.constant 2 : i32
    %mul3A_0 = arith.muli %arg1, %mul3A : i32
    %add3A = arith.addi %mul3A_0, %arg0 : i32
    %mul3A_1 = arith.constant 3136 : i32
    %mul3A_2 = arith.muli %add3A, %mul3A_1 : i32
    "tpu.region"() ({
      %run_scoped3A = tpu.sem_alloc : memref<!tpu.dma_semaphore, #tpu.memory_space<semaphore_mem>>
      %dma_start3A = tpu.memref_slice %arg2[%mul3A_2] : memref<100352xf32, #tpu.memory_space<hbm>> -> memref<3136xf32, #tpu.memory_space<hbm>>
      %dma_start3A_411 = tpu.memref_slice %arg2[%mul3A_2] : memref<100352xf32, #tpu.memory_space<hbm>> -> memref<3136xf32, #tpu.memory_space<hbm>>
      tpu.enqueue_dma source(%dma_start3A_411 : memref<3136xf32, #tpu.memory_space<hbm>>) target(%arg5 : memref<3136xf32, #tpu.memory_space<vmem>>) target_semaphore(%run_scoped3A : memref<!tpu.dma_semaphore, #tpu.memory_space<semaphore_mem>>)
      %dma_wait3A = tpu.memref_slice %arg2[%mul3A_2] : memref<100352xf32, #tpu.memory_space<hbm>> -> memref<3136xf32, #tpu.memory_space<hbm>>
      %dma_wait3A_412 = tpu.memref_slice %arg2[%mul3A_2] : memref<100352xf32, #tpu.memory_space<hbm>> -> memref<3136xf32, #tpu.memory_space<hbm>>
      tpu.wait_dma2 semaphore(%run_scoped3A : memref<!tpu.dma_semaphore, #tpu.memory_space<semaphore_mem>>) src(%dma_wait3A_412 : memref<3136xf32, #tpu.memory_space<hbm>>) dst(%arg5 : memref<3136xf32, #tpu.memory_space<vmem>>)
      tpu.yield
    }) : () -> ()
    "tpu.region"() ({
      %run_scoped3A = tpu.sem_alloc : memref<!tpu.dma_semaphore, #tpu.memory_space<semaphore_mem>>
      tpu.enqueue_dma source(%arg3 : memref<16x16xf32, #tpu.memory_space<hbm>>) target(%arg6 : memref<16x16xf32, #tpu.memory_space<vmem>>) target_semaphore(%run_scoped3A : memref<!tpu.dma_semaphore, #tpu.memory_space<semaphore_mem>>)
      tpu.wait_dma2 semaphore(%run_scoped3A : memref<!tpu.dma_semaphore, #tpu.memory_space<semaphore_mem>>) src(%arg3 : memref<16x16xf32, #tpu.memory_space<hbm>>) dst(%arg6 : memref<16x16xf32, #tpu.memory_space<vmem>>)
      tpu.yield
    }) : () -> ()
    %broadcast_in_dim3A = arith.constant 1.000000e+00 : f32
    %broadcast_in_dim3A_3 = vector.broadcast %broadcast_in_dim3A : f32 to vector<16xf32>
    %broadcast_in_dim3A_4 = arith.constant 0.000000e+00 : f32
    %broadcast_in_dim3A_5 = vector.broadcast %broadcast_in_dim3A_4 : f32 to vector<16xf32>
    %broadcast_in_dim3A_6 = arith.constant 0.000000e+00 : f32
    %broadcast_in_dim3A_7 = vector.broadcast %broadcast_in_dim3A_6 : f32 to vector<16xf32>
    %broadcast_in_dim3A_8 = arith.constant 0.000000e+00 : f32
    %broadcast_in_dim3A_9 = vector.broadcast %broadcast_in_dim3A_8 : f32 to vector<16xf32>
    %broadcast_in_dim3A_10 = arith.constant 0.000000e+00 : f32
    %broadcast_in_dim3A_11 = vector.broadcast %broadcast_in_dim3A_10 : f32 to vector<16xf32>
    %broadcast_in_dim3A_12 = arith.constant 0.000000e+00 : f32
    %broadcast_in_dim3A_13 = vector.broadcast %broadcast_in_dim3A_12 : f32 to vector<16xf32>
    %broadcast_in_dim3A_14 = arith.constant 0.000000e+00 : f32
    %broadcast_in_dim3A_15 = vector.broadcast %broadcast_in_dim3A_14 : f32 to vector<16xf32>
    %broadcast_in_dim3A_16 = arith.constant 0.000000e+00 : f32
    %broadcast_in_dim3A_17 = vector.broadcast %broadcast_in_dim3A_16 : f32 to vector<16xf32>
    %broadcast_in_dim3A_18 = arith.constant 0.000000e+00 : f32
    %broadcast_in_dim3A_19 = vector.broadcast %broadcast_in_dim3A_18 : f32 to vector<16xf32>
    %broadcast_in_dim3A_20 = arith.constant 0.000000e+00 : f32
    %broadcast_in_dim3A_21 = vector.broadcast %broadcast_in_dim3A_20 : f32 to vector<16xf32>
    %broadcast_in_dim3A_22 = arith.constant 0.000000e+00 : f32
    %broadcast_in_dim3A_23 = vector.broadcast %broadcast_in_dim3A_22 : f32 to vector<16xf32>
    %scan3A = arith.constant 0 : i32
    %scan3A_24 = arith.constant 192 : i32
    %scan3A_25 = arith.addi %scan3A, %scan3A_24 : i32
    %scan3A_26 = arith.constant 8 : i32
    %scan3A_27:9 = scf.for %scan3A_411 = %scan3A to %scan3A_25 step %scan3A_26 iter_args(%scan3A_412 = %broadcast_in_dim3A_7, %scan3A_413 = %broadcast_in_dim3A_9, %scan3A_414 = %broadcast_in_dim3A_11, %scan3A_415 = %broadcast_in_dim3A_13, %scan3A_416 = %broadcast_in_dim3A_15, %scan3A_417 = %broadcast_in_dim3A_17, %scan3A_418 = %broadcast_in_dim3A_19, %scan3A_419 = %broadcast_in_dim3A_21, %scan3A_420 = %broadcast_in_dim3A_23) -> (vector<16xf32>, vector<16xf32>, vector<16xf32>, vector<16xf32>, vector<16xf32>, vector<16xf32>, vector<16xf32>, vector<16xf32>, vector<16xf32>)  : i32 {
      %mul3A_421 = arith.constant 16 : i32
      %mul3A_422 = arith.muli %scan3A_411, %mul3A_421 : i32
      %get3A_423 = arith.index_cast %mul3A_422 : i32 to index
      %get3A_424 = tpu.vector_load %arg5[%get3A_423] {strides = array<i32>} : memref<3136xf32, #tpu.memory_space<vmem>>, vector<16xf32>,
      %get3A_425 = vector.shape_cast %get3A_424 : vector<16xf32> to vector<16xf32>
      %get3A_426 = arith.constant 1 : i32
      %get3A_427 = arith.index_cast %get3A_426 : i32 to index
      %get3A_428 = arith.constant 0 : index
      %get3A_429 = tpu.vector_load %arg6[%get3A_427, %get3A_428] {strides = array<i32>} : memref<16x16xf32, #tpu.memory_space<vmem>>, vector<1x16xf32>,
      %get3A_430 = vector.shape_cast %get3A_429 : vector<1x16xf32> to vector<16xf32>
      %ge3A_431 = arith.cmpf oge, %get3A_425, %get3A_430 : vector<16xf32>
      %select_n3A_432 = arith.select %ge3A_431, %broadcast_in_dim3A_3, %broadcast_in_dim3A_5 : vector<16xi1>, vector<16xf32>
      %add3A_433 = arith.addf %scan3A_412, %select_n3A_432 : vector<16xf32>
      %get3A_434 = arith.constant 2 : i32
      %get3A_435 = arith.index_cast %get3A_434 : i32 to index
      %get3A_436 = arith.constant 0 : index
      %get3A_437 = tpu.vector_load %arg6[%get3A_435, %get3A_436] {strides = array<i32>} : memref<16x16xf32, #tpu.memory_space<vmem>>, vector<1x16xf32>,
      %get3A_438 = vector.shape_cast %get3A_437 : vector<1x16xf32> to vector<16xf32>
      %ge3A_439 = arith.cmpf oge, %get3A_425, %get3A_438 : vector<16xf32>
      %select_n3A_440 = arith.select %ge3A_439, %broadcast_in_dim3A_3, %broadcast_in_dim3A_5 : vector<16xi1>, vector<16xf32>
      %add3A_441 = arith.addf %scan3A_413, %select_n3A_440 : vector<16xf32>
      %get3A_442 = arith.constant 3 : i32
      %get3A_443 = arith.index_cast %get3A_442 : i32 to index
      %get3A_444 = arith.constant 0 : index
      %get3A_445 = tpu.vector_load %arg6[%get3A_443, %get3A_444] {strides = array<i32>} : memref<16x16xf32, #tpu.memory_space<vmem>>, vector<1x16xf32>,
      %get3A_446 = vector.shape_cast %get3A_445 : vector<1x16xf32> to vector<16xf32>
      %ge3A_447 = arith.cmpf oge, %get3A_425, %get3A_446 : vector<16xf32>
      %select_n3A_448 = arith.select %ge3A_447, %broadcast_in_dim3A_3, %broadcast_in_dim3A_5 : vector<16xi1>, vector<16xf32>
      %add3A_449 = arith.addf %scan3A_414, %select_n3A_448 : vector<16xf32>
      %get3A_450 = arith.constant 4 : i32
      %get3A_451 = arith.index_cast %get3A_450 : i32 to index
      %get3A_452 = arith.constant 0 : index
      %get3A_453 = tpu.vector_load %arg6[%get3A_451, %get3A_452] {strides = array<i32>} : memref<16x16xf32, #tpu.memory_space<vmem>>, vector<1x16xf32>,
      %get3A_454 = vector.shape_cast %get3A_453 : vector<1x16xf32> to vector<16xf32>
      %ge3A_455 = arith.cmpf oge, %get3A_425, %get3A_454 : vector<16xf32>
      %select_n3A_456 = arith.select %ge3A_455, %broadcast_in_dim3A_3, %broadcast_in_dim3A_5 : vector<16xi1>, vector<16xf32>
      %add3A_457 = arith.addf %scan3A_415, %select_n3A_456 : vector<16xf32>
      %get3A_458 = arith.constant 5 : i32
      %get3A_459 = arith.index_cast %get3A_458 : i32 to index
      %get3A_460 = arith.constant 0 : index
      %get3A_461 = tpu.vector_load %arg6[%get3A_459, %get3A_460] {strides = array<i32>} : memref<16x16xf32, #tpu.memory_space<vmem>>, vector<1x16xf32>,
      %get3A_462 = vector.shape_cast %get3A_461 : vector<1x16xf32> to vector<16xf32>
      %ge3A_463 = arith.cmpf oge, %get3A_425, %get3A_462 : vector<16xf32>
      %select_n3A_464 = arith.select %ge3A_463, %broadcast_in_dim3A_3, %broadcast_in_dim3A_5 : vector<16xi1>, vector<16xf32>
      %add3A_465 = arith.addf %scan3A_416, %select_n3A_464 : vector<16xf32>
      %get3A_466 = arith.constant 6 : i32
      %get3A_467 = arith.index_cast %get3A_466 : i32 to index
      %get3A_468 = arith.constant 0 : index
      %get3A_469 = tpu.vector_load %arg6[%get3A_467, %get3A_468] {strides = array<i32>} : memref<16x16xf32, #tpu.memory_space<vmem>>, vector<1x16xf32>,
      %get3A_470 = vector.shape_cast %get3A_469 : vector<1x16xf32> to vector<16xf32>
      %ge3A_471 = arith.cmpf oge, %get3A_425, %get3A_470 : vector<16xf32>
      %select_n3A_472 = arith.select %ge3A_471, %broadcast_in_dim3A_3, %broadcast_in_dim3A_5 : vector<16xi1>, vector<16xf32>
      %add3A_473 = arith.addf %scan3A_417, %select_n3A_472 : vector<16xf32>
      %get3A_474 = arith.constant 7 : i32
      %get3A_475 = arith.index_cast %get3A_474 : i32 to index
      %get3A_476 = arith.constant 0 : index
      %get3A_477 = tpu.vector_load %arg6[%get3A_475, %get3A_476] {strides = array<i32>} : memref<16x16xf32, #tpu.memory_space<vmem>>, vector<1x16xf32>,
      %get3A_478 = vector.shape_cast %get3A_477 : vector<1x16xf32> to vector<16xf32>
      %ge3A_479 = arith.cmpf oge, %get3A_425, %get3A_478 : vector<16xf32>
      %select_n3A_480 = arith.select %ge3A_479, %broadcast_in_dim3A_3, %broadcast_in_dim3A_5 : vector<16xi1>, vector<16xf32>
      %add3A_481 = arith.addf %scan3A_418, %select_n3A_480 : vector<16xf32>
      %get3A_482 = arith.constant 8 : i32
      %get3A_483 = arith.index_cast %get3A_482 : i32 to index
      %get3A_484 = arith.constant 0 : index
      %get3A_485 = tpu.vector_load %arg6[%get3A_483, %get3A_484] {strides = array<i32>} : memref<16x16xf32, #tpu.memory_space<vmem>>, vector<1x16xf32>,
      %get3A_486 = vector.shape_cast %get3A_485 : vector<1x16xf32> to vector<16xf32>
      %ge3A_487 = arith.cmpf oge, %get3A_425, %get3A_486 : vector<16xf32>
      %select_n3A_488 = arith.select %ge3A_487, %broadcast_in_dim3A_3, %broadcast_in_dim3A_5 : vector<16xi1>, vector<16xf32>
      %add3A_489 = arith.addf %scan3A_419, %select_n3A_488 : vector<16xf32>
      %get3A_490 = arith.constant 9 : i32
      %get3A_491 = arith.index_cast %get3A_490 : i32 to index
      %get3A_492 = arith.constant 0 : index
      %get3A_493 = tpu.vector_load %arg6[%get3A_491, %get3A_492] {strides = array<i32>} : memref<16x16xf32, #tpu.memory_space<vmem>>, vector<1x16xf32>,
      %get3A_494 = vector.shape_cast %get3A_493 : vector<1x16xf32> to vector<16xf32>
      %ge3A_495 = arith.cmpf oge, %get3A_425, %get3A_494 : vector<16xf32>
      %select_n3A_496 = arith.select %ge3A_495, %broadcast_in_dim3A_3, %broadcast_in_dim3A_5 : vector<16xi1>, vector<16xf32>
      %add3A_497 = arith.addf %scan3A_420, %select_n3A_496 : vector<16xf32>
      %scan3A_498 = arith.constant 1 : i32
      %scan3A_499 = arith.addi %scan3A_411, %scan3A_498 : i32
      %mul3A_500 = arith.constant 16 : i32
      %mul3A_501 = arith.muli %scan3A_499, %mul3A_500 : i32
      %get3A_502 = arith.index_cast %mul3A_501 : i32 to index
      %get3A_503 = tpu.vector_load %arg5[%get3A_502] {strides = array<i32>} : memref<3136xf32, #tpu.memory_space<vmem>>, vector<16xf32>,
      %get3A_504 = vector.shape_cast %get3A_503 : vector<16xf32> to vector<16xf32>
      %get3A_505 = arith.constant 1 : i32
      %get3A_506 = arith.index_cast %get3A_505 : i32 to index
      %get3A_507 = arith.constant 0 : index
      %get3A_508 = tpu.vector_load %arg6[%get3A_506, %get3A_507] {strides = array<i32>} : memref<16x16xf32, #tpu.memory_space<vmem>>, vector<1x16xf32>,
      %get3A_509 = vector.shape_cast %get3A_508 : vector<1x16xf32> to vector<16xf32>
      %ge3A_510 = arith.cmpf oge, %get3A_504, %get3A_509 : vector<16xf32>
      %select_n3A_511 = arith.select %ge3A_510, %broadcast_in_dim3A_3, %broadcast_in_dim3A_5 : vector<16xi1>, vector<16xf32>
      %add3A_512 = arith.addf %add3A_433, %select_n3A_511 : vector<16xf32>
      %get3A_513 = arith.constant 2 : i32
      %get3A_514 = arith.index_cast %get3A_513 : i32 to index
      %get3A_515 = arith.constant 0 : index
      %get3A_516 = tpu.vector_load %arg6[%get3A_514, %get3A_515] {strides = array<i32>} : memref<16x16xf32, #tpu.memory_space<vmem>>, vector<1x16xf32>,
      %get3A_517 = vector.shape_cast %get3A_516 : vector<1x16xf32> to vector<16xf32>
      %ge3A_518 = arith.cmpf oge, %get3A_504, %get3A_517 : vector<16xf32>
      %select_n3A_519 = arith.select %ge3A_518, %broadcast_in_dim3A_3, %broadcast_in_dim3A_5 : vector<16xi1>, vector<16xf32>
      %add3A_520 = arith.addf %add3A_441, %select_n3A_519 : vector<16xf32>
      %get3A_521 = arith.constant 3 : i32
      %get3A_522 = arith.index_cast %get3A_521 : i32 to index
      %get3A_523 = arith.constant 0 : index
      %get3A_524 = tpu.vector_load %arg6[%get3A_522, %get3A_523] {strides = array<i32>} : memref<16x16xf32, #tpu.memory_space<vmem>>, vector<1x16xf32>,
      %get3A_525 = vector.shape_cast %get3A_524 : vector<1x16xf32> to vector<16xf32>
      %ge3A_526 = arith.cmpf oge, %get3A_504, %get3A_525 : vector<16xf32>
      %select_n3A_527 = arith.select %ge3A_526, %broadcast_in_dim3A_3, %broadcast_in_dim3A_5 : vector<16xi1>, vector<16xf32>
      %add3A_528 = arith.addf %add3A_449, %select_n3A_527 : vector<16xf32>
      %get3A_529 = arith.constant 4 : i32
      %get3A_530 = arith.index_cast %get3A_529 : i32 to index
      %get3A_531 = arith.constant 0 : index
      %get3A_532 = tpu.vector_load %arg6[%get3A_530, %get3A_531] {strides = array<i32>} : memref<16x16xf32, #tpu.memory_space<vmem>>, vector<1x16xf32>,
      %get3A_533 = vector.shape_cast %get3A_532 : vector<1x16xf32> to vector<16xf32>
      %ge3A_534 = arith.cmpf oge, %get3A_504, %get3A_533 : vector<16xf32>
      %select_n3A_535 = arith.select %ge3A_534, %broadcast_in_dim3A_3, %broadcast_in_dim3A_5 : vector<16xi1>, vector<16xf32>
      %add3A_536 = arith.addf %add3A_457, %select_n3A_535 : vector<16xf32>
      %get3A_537 = arith.constant 5 : i32
      %get3A_538 = arith.index_cast %get3A_537 : i32 to index
      %get3A_539 = arith.constant 0 : index
      %get3A_540 = tpu.vector_load %arg6[%get3A_538, %get3A_539] {strides = array<i32>} : memref<16x16xf32, #tpu.memory_space<vmem>>, vector<1x16xf32>,
      %get3A_541 = vector.shape_cast %get3A_540 : vector<1x16xf32> to vector<16xf32>
      %ge3A_542 = arith.cmpf oge, %get3A_504, %get3A_541 : vector<16xf32>
      %select_n3A_543 = arith.select %ge3A_542, %broadcast_in_dim3A_3, %broadcast_in_dim3A_5 : vector<16xi1>, vector<16xf32>
      %add3A_544 = arith.addf %add3A_465, %select_n3A_543 : vector<16xf32>
      %get3A_545 = arith.constant 6 : i32
      %get3A_546 = arith.index_cast %get3A_545 : i32 to index
      %get3A_547 = arith.constant 0 : index
      %get3A_548 = tpu.vector_load %arg6[%get3A_546, %get3A_547] {strides = array<i32>} : memref<16x16xf32, #tpu.memory_space<vmem>>, vector<1x16xf32>,
      %get3A_549 = vector.shape_cast %get3A_548 : vector<1x16xf32> to vector<16xf32>
      %ge3A_550 = arith.cmpf oge, %get3A_504, %get3A_549 : vector<16xf32>
      %select_n3A_551 = arith.select %ge3A_550, %broadcast_in_dim3A_3, %broadcast_in_dim3A_5 : vector<16xi1>, vector<16xf32>
      %add3A_552 = arith.addf %add3A_473, %select_n3A_551 : vector<16xf32>
      %get3A_553 = arith.constant 7 : i32
      %get3A_554 = arith.index_cast %get3A_553 : i32 to index
      %get3A_555 = arith.constant 0 : index
      %get3A_556 = tpu.vector_load %arg6[%get3A_554, %get3A_555] {strides = array<i32>} : memref<16x16xf32, #tpu.memory_space<vmem>>, vector<1x16xf32>,
      %get3A_557 = vector.shape_cast %get3A_556 : vector<1x16xf32> to vector<16xf32>
      %ge3A_558 = arith.cmpf oge, %get3A_504, %get3A_557 : vector<16xf32>
      %select_n3A_559 = arith.select %ge3A_558, %broadcast_in_dim3A_3, %broadcast_in_dim3A_5 : vector<16xi1>, vector<16xf32>
      %add3A_560 = arith.addf %add3A_481, %select_n3A_559 : vector<16xf32>
      %get3A_561 = arith.constant 8 : i32
      %get3A_562 = arith.index_cast %get3A_561 : i32 to index
      %get3A_563 = arith.constant 0 : index
      %get3A_564 = tpu.vector_load %arg6[%get3A_562, %get3A_563] {strides = array<i32>} : memref<16x16xf32, #tpu.memory_space<vmem>>, vector<1x16xf32>,
      %get3A_565 = vector.shape_cast %get3A_564 : vector<1x16xf32> to vector<16xf32>
      %ge3A_566 = arith.cmpf oge, %get3A_504, %get3A_565 : vector<16xf32>
      %select_n3A_567 = arith.select %ge3A_566, %broadcast_in_dim3A_3, %broadcast_in_dim3A_5 : vector<16xi1>, vector<16xf32>
      %add3A_568 = arith.addf %add3A_489, %select_n3A_567 : vector<16xf32>
      %get3A_569 = arith.constant 9 : i32
      %get3A_570 = arith.index_cast %get3A_569 : i32 to index
      %get3A_571 = arith.constant 0 : index
      %get3A_572 = tpu.vector_load %arg6[%get3A_570, %get3A_571] {strides = array<i32>} : memref<16x16xf32, #tpu.memory_space<vmem>>, vector<1x16xf32>,
      %get3A_573 = vector.shape_cast %get3A_572 : vector<1x16xf32> to vector<16xf32>
      %ge3A_574 = arith.cmpf oge, %get3A_504, %get3A_573 : vector<16xf32>
      %select_n3A_575 = arith.select %ge3A_574, %broadcast_in_dim3A_3, %broadcast_in_dim3A_5 : vector<16xi1>, vector<16xf32>
      %add3A_576 = arith.addf %add3A_497, %select_n3A_575 : vector<16xf32>
      %scan3A_577 = arith.constant 2 : i32
      %scan3A_578 = arith.addi %scan3A_411, %scan3A_577 : i32
      %mul3A_579 = arith.constant 16 : i32
      %mul3A_580 = arith.muli %scan3A_578, %mul3A_579 : i32
      %get3A_581 = arith.index_cast %mul3A_580 : i32 to index
      %get3A_582 = tpu.vector_load %arg5[%get3A_581] {strides = array<i32>} : memref<3136xf32, #tpu.memory_space<vmem>>, vector<16xf32>,
      %get3A_583 = vector.shape_cast %get3A_582 : vector<16xf32> to vector<16xf32>
      %get3A_584 = arith.constant 1 : i32
      %get3A_585 = arith.index_cast %get3A_584 : i32 to index
      %get3A_586 = arith.constant 0 : index
      %get3A_587 = tpu.vector_load %arg6[%get3A_585, %get3A_586] {strides = array<i32>} : memref<16x16xf32, #tpu.memory_space<vmem>>, vector<1x16xf32>,
      %get3A_588 = vector.shape_cast %get3A_587 : vector<1x16xf32> to vector<16xf32>
      %ge3A_589 = arith.cmpf oge, %get3A_583, %get3A_588 : vector<16xf32>
      %select_n3A_590 = arith.select %ge3A_589, %broadcast_in_dim3A_3, %broadcast_in_dim3A_5 : vector<16xi1>, vector<16xf32>
      %add3A_591 = arith.addf %add3A_512, %select_n3A_590 : vector<16xf32>
      %get3A_592 = arith.constant 2 : i32
      %get3A_593 = arith.index_cast %get3A_592 : i32 to index
      %get3A_594 = arith.constant 0 : index
      %get3A_595 = tpu.vector_load %arg6[%get3A_593, %get3A_594] {strides = array<i32>} : memref<16x16xf32, #tpu.memory_space<vmem>>, vector<1x16xf32>,
      %get3A_596 = vector.shape_cast %get3A_595 : vector<1x16xf32> to vector<16xf32>
      %ge3A_597 = arith.cmpf oge, %get3A_583, %get3A_596 : vector<16xf32>
      %select_n3A_598 = arith.select %ge3A_597, %broadcast_in_dim3A_3, %broadcast_in_dim3A_5 : vector<16xi1>, vector<16xf32>
      %add3A_599 = arith.addf %add3A_520, %select_n3A_598 : vector<16xf32>
      %get3A_600 = arith.constant 3 : i32
      %get3A_601 = arith.index_cast %get3A_600 : i32 to index
      %get3A_602 = arith.constant 0 : index
      %get3A_603 = tpu.vector_load %arg6[%get3A_601, %get3A_602] {strides = array<i32>} : memref<16x16xf32, #tpu.memory_space<vmem>>, vector<1x16xf32>,
      %get3A_604 = vector.shape_cast %get3A_603 : vector<1x16xf32> to vector<16xf32>
      %ge3A_605 = arith.cmpf oge, %get3A_583, %get3A_604 : vector<16xf32>
      %select_n3A_606 = arith.select %ge3A_605, %broadcast_in_dim3A_3, %broadcast_in_dim3A_5 : vector<16xi1>, vector<16xf32>
      %add3A_607 = arith.addf %add3A_528, %select_n3A_606 : vector<16xf32>
      %get3A_608 = arith.constant 4 : i32
      %get3A_609 = arith.index_cast %get3A_608 : i32 to index
      %get3A_610 = arith.constant 0 : index
      %get3A_611 = tpu.vector_load %arg6[%get3A_609, %get3A_610] {strides = array<i32>} : memref<16x16xf32, #tpu.memory_space<vmem>>, vector<1x16xf32>,
      %get3A_612 = vector.shape_cast %get3A_611 : vector<1x16xf32> to vector<16xf32>
      %ge3A_613 = arith.cmpf oge, %get3A_583, %get3A_612 : vector<16xf32>
      %select_n3A_614 = arith.select %ge3A_613, %broadcast_in_dim3A_3, %broadcast_in_dim3A_5 : vector<16xi1>, vector<16xf32>
      %add3A_615 = arith.addf %add3A_536, %select_n3A_614 : vector<16xf32>
      %get3A_616 = arith.constant 5 : i32
      %get3A_617 = arith.index_cast %get3A_616 : i32 to index
      %get3A_618 = arith.constant 0 : index
      %get3A_619 = tpu.vector_load %arg6[%get3A_617, %get3A_618] {strides = array<i32>} : memref<16x16xf32, #tpu.memory_space<vmem>>, vector<1x16xf32>,
      %get3A_620 = vector.shape_cast %get3A_619 : vector<1x16xf32> to vector<16xf32>
      %ge3A_621 = arith.cmpf oge, %get3A_583, %get3A_620 : vector<16xf32>
      %select_n3A_622 = arith.select %ge3A_621, %broadcast_in_dim3A_3, %broadcast_in_dim3A_5 : vector<16xi1>, vector<16xf32>
      %add3A_623 = arith.addf %add3A_544, %select_n3A_622 : vector<16xf32>
      %get3A_624 = arith.constant 6 : i32
      %get3A_625 = arith.index_cast %get3A_624 : i32 to index
      %get3A_626 = arith.constant 0 : index
      %get3A_627 = tpu.vector_load %arg6[%get3A_625, %get3A_626] {strides = array<i32>} : memref<16x16xf32, #tpu.memory_space<vmem>>, vector<1x16xf32>,
      %get3A_628 = vector.shape_cast %get3A_627 : vector<1x16xf32> to vector<16xf32>
      %ge3A_629 = arith.cmpf oge, %get3A_583, %get3A_628 : vector<16xf32>
      %select_n3A_630 = arith.select %ge3A_629, %broadcast_in_dim3A_3, %broadcast_in_dim3A_5 : vector<16xi1>, vector<16xf32>
      %add3A_631 = arith.addf %add3A_552, %select_n3A_630 : vector<16xf32>
      %get3A_632 = arith.constant 7 : i32
      %get3A_633 = arith.index_cast %get3A_632 : i32 to index
      %get3A_634 = arith.constant 0 : index
      %get3A_635 = tpu.vector_load %arg6[%get3A_633, %get3A_634] {strides = array<i32>} : memref<16x16xf32, #tpu.memory_space<vmem>>, vector<1x16xf32>,
      %get3A_636 = vector.shape_cast %get3A_635 : vector<1x16xf32> to vector<16xf32>
      %ge3A_637 = arith.cmpf oge, %get3A_583, %get3A_636 : vector<16xf32>
      %select_n3A_638 = arith.select %ge3A_637, %broadcast_in_dim3A_3, %broadcast_in_dim3A_5 : vector<16xi1>, vector<16xf32>
      %add3A_639 = arith.addf %add3A_560, %select_n3A_638 : vector<16xf32>
      %get3A_640 = arith.constant 8 : i32
      %get3A_641 = arith.index_cast %get3A_640 : i32 to index
      %get3A_642 = arith.constant 0 : index
      %get3A_643 = tpu.vector_load %arg6[%get3A_641, %get3A_642] {strides = array<i32>} : memref<16x16xf32, #tpu.memory_space<vmem>>, vector<1x16xf32>,
      %get3A_644 = vector.shape_cast %get3A_643 : vector<1x16xf32> to vector<16xf32>
      %ge3A_645 = arith.cmpf oge, %get3A_583, %get3A_644 : vector<16xf32>
      %select_n3A_646 = arith.select %ge3A_645, %broadcast_in_dim3A_3, %broadcast_in_dim3A_5 : vector<16xi1>, vector<16xf32>
      %add3A_647 = arith.addf %add3A_568, %select_n3A_646 : vector<16xf32>
      %get3A_648 = arith.constant 9 : i32
      %get3A_649 = arith.index_cast %get3A_648 : i32 to index
      %get3A_650 = arith.constant 0 : index
      %get3A_651 = tpu.vector_load %arg6[%get3A_649, %get3A_650] {strides = array<i32>} : memref<16x16xf32, #tpu.memory_space<vmem>>, vector<1x16xf32>,
      %get3A_652 = vector.shape_cast %get3A_651 : vector<1x16xf32> to vector<16xf32>
      %ge3A_653 = arith.cmpf oge, %get3A_583, %get3A_652 : vector<16xf32>
      %select_n3A_654 = arith.select %ge3A_653, %broadcast_in_dim3A_3, %broadcast_in_dim3A_5 : vector<16xi1>, vector<16xf32>
      %add3A_655 = arith.addf %add3A_576, %select_n3A_654 : vector<16xf32>
      %scan3A_656 = arith.constant 3 : i32
      %scan3A_657 = arith.addi %scan3A_411, %scan3A_656 : i32
      %mul3A_658 = arith.constant 16 : i32
      %mul3A_659 = arith.muli %scan3A_657, %mul3A_658 : i32
      %get3A_660 = arith.index_cast %mul3A_659 : i32 to index
      %get3A_661 = tpu.vector_load %arg5[%get3A_660] {strides = array<i32>} : memref<3136xf32, #tpu.memory_space<vmem>>, vector<16xf32>,
      %get3A_662 = vector.shape_cast %get3A_661 : vector<16xf32> to vector<16xf32>
      %get3A_663 = arith.constant 1 : i32
      %get3A_664 = arith.index_cast %get3A_663 : i32 to index
      %get3A_665 = arith.constant 0 : index
      %get3A_666 = tpu.vector_load %arg6[%get3A_664, %get3A_665] {strides = array<i32>} : memref<16x16xf32, #tpu.memory_space<vmem>>, vector<1x16xf32>,
      %get3A_667 = vector.shape_cast %get3A_666 : vector<1x16xf32> to vector<16xf32>
      %ge3A_668 = arith.cmpf oge, %get3A_662, %get3A_667 : vector<16xf32>
      %select_n3A_669 = arith.select %ge3A_668, %broadcast_in_dim3A_3, %broadcast_in_dim3A_5 : vector<16xi1>, vector<16xf32>
      %add3A_670 = arith.addf %add3A_591, %select_n3A_669 : vector<16xf32>
      %get3A_671 = arith.constant 2 : i32
      %get3A_672 = arith.index_cast %get3A_671 : i32 to index
      %get3A_673 = arith.constant 0 : index
      %get3A_674 = tpu.vector_load %arg6[%get3A_672, %get3A_673] {strides = array<i32>} : memref<16x16xf32, #tpu.memory_space<vmem>>, vector<1x16xf32>,
      %get3A_675 = vector.shape_cast %get3A_674 : vector<1x16xf32> to vector<16xf32>
      %ge3A_676 = arith.cmpf oge, %get3A_662, %get3A_675 : vector<16xf32>
      %select_n3A_677 = arith.select %ge3A_676, %broadcast_in_dim3A_3, %broadcast_in_dim3A_5 : vector<16xi1>, vector<16xf32>
      %add3A_678 = arith.addf %add3A_599, %select_n3A_677 : vector<16xf32>
      %get3A_679 = arith.constant 3 : i32
      %get3A_680 = arith.index_cast %get3A_679 : i32 to index
      %get3A_681 = arith.constant 0 : index
      %get3A_682 = tpu.vector_load %arg6[%get3A_680, %get3A_681] {strides = array<i32>} : memref<16x16xf32, #tpu.memory_space<vmem>>, vector<1x16xf32>,
      %get3A_683 = vector.shape_cast %get3A_682 : vector<1x16xf32> to vector<16xf32>
      %ge3A_684 = arith.cmpf oge, %get3A_662, %get3A_683 : vector<16xf32>
      %select_n3A_685 = arith.select %ge3A_684, %broadcast_in_dim3A_3, %broadcast_in_dim3A_5 : vector<16xi1>, vector<16xf32>
      %add3A_686 = arith.addf %add3A_607, %select_n3A_685 : vector<16xf32>
      %get3A_687 = arith.constant 4 : i32
      %get3A_688 = arith.index_cast %get3A_687 : i32 to index
      %get3A_689 = arith.constant 0 : index
      %get3A_690 = tpu.vector_load %arg6[%get3A_688, %get3A_689] {strides = array<i32>} : memref<16x16xf32, #tpu.memory_space<vmem>>, vector<1x16xf32>,
      %get3A_691 = vector.shape_cast %get3A_690 : vector<1x16xf32> to vector<16xf32>
      %ge3A_692 = arith.cmpf oge, %get3A_662, %get3A_691 : vector<16xf32>
      %select_n3A_693 = arith.select %ge3A_692, %broadcast_in_dim3A_3, %broadcast_in_dim3A_5 : vector<16xi1>, vector<16xf32>
      %add3A_694 = arith.addf %add3A_615, %select_n3A_693 : vector<16xf32>
      %get3A_695 = arith.constant 5 : i32
      %get3A_696 = arith.index_cast %get3A_695 : i32 to index
      %get3A_697 = arith.constant 0 : index
      %get3A_698 = tpu.vector_load %arg6[%get3A_696, %get3A_697] {strides = array<i32>} : memref<16x16xf32, #tpu.memory_space<vmem>>, vector<1x16xf32>,
      %get3A_699 = vector.shape_cast %get3A_698 : vector<1x16xf32> to vector<16xf32>
      %ge3A_700 = arith.cmpf oge, %get3A_662, %get3A_699 : vector<16xf32>
      %select_n3A_701 = arith.select %ge3A_700, %broadcast_in_dim3A_3, %broadcast_in_dim3A_5 : vector<16xi1>, vector<16xf32>
      %add3A_702 = arith.addf %add3A_623, %select_n3A_701 : vector<16xf32>
      %get3A_703 = arith.constant 6 : i32
      %get3A_704 = arith.index_cast %get3A_703 : i32 to index
      %get3A_705 = arith.constant 0 : index
      %get3A_706 = tpu.vector_load %arg6[%get3A_704, %get3A_705] {strides = array<i32>} : memref<16x16xf32, #tpu.memory_space<vmem>>, vector<1x16xf32>,
      %get3A_707 = vector.shape_cast %get3A_706 : vector<1x16xf32> to vector<16xf32>
      %ge3A_708 = arith.cmpf oge, %get3A_662, %get3A_707 : vector<16xf32>
      %select_n3A_709 = arith.select %ge3A_708, %broadcast_in_dim3A_3, %broadcast_in_dim3A_5 : vector<16xi1>, vector<16xf32>
      %add3A_710 = arith.addf %add3A_631, %select_n3A_709 : vector<16xf32>
      %get3A_711 = arith.constant 7 : i32
      %get3A_712 = arith.index_cast %get3A_711 : i32 to index
      %get3A_713 = arith.constant 0 : index
      %get3A_714 = tpu.vector_load %arg6[%get3A_712, %get3A_713] {strides = array<i32>} : memref<16x16xf32, #tpu.memory_space<vmem>>, vector<1x16xf32>,
      %get3A_715 = vector.shape_cast %get3A_714 : vector<1x16xf32> to vector<16xf32>
      %ge3A_716 = arith.cmpf oge, %get3A_662, %get3A_715 : vector<16xf32>
      %select_n3A_717 = arith.select %ge3A_716, %broadcast_in_dim3A_3, %broadcast_in_dim3A_5 : vector<16xi1>, vector<16xf32>
      %add3A_718 = arith.addf %add3A_639, %select_n3A_717 : vector<16xf32>
      %get3A_719 = arith.constant 8 : i32
      %get3A_720 = arith.index_cast %get3A_719 : i32 to index
      %get3A_721 = arith.constant 0 : index
      %get3A_722 = tpu.vector_load %arg6[%get3A_720, %get3A_721] {strides = array<i32>} : memref<16x16xf32, #tpu.memory_space<vmem>>, vector<1x16xf32>,
      %get3A_723 = vector.shape_cast %get3A_722 : vector<1x16xf32> to vector<16xf32>
      %ge3A_724 = arith.cmpf oge, %get3A_662, %get3A_723 : vector<16xf32>
      %select_n3A_725 = arith.select %ge3A_724, %broadcast_in_dim3A_3, %broadcast_in_dim3A_5 : vector<16xi1>, vector<16xf32>
      %add3A_726 = arith.addf %add3A_647, %select_n3A_725 : vector<16xf32>
      %get3A_727 = arith.constant 9 : i32
      %get3A_728 = arith.index_cast %get3A_727 : i32 to index
      %get3A_729 = arith.constant 0 : index
      %get3A_730 = tpu.vector_load %arg6[%get3A_728, %get3A_729] {strides = array<i32>} : memref<16x16xf32, #tpu.memory_space<vmem>>, vector<1x16xf32>,
      %get3A_731 = vector.shape_cast %get3A_730 : vector<1x16xf32> to vector<16xf32>
      %ge3A_732 = arith.cmpf oge, %get3A_662, %get3A_731 : vector<16xf32>
      %select_n3A_733 = arith.select %ge3A_732, %broadcast_in_dim3A_3, %broadcast_in_dim3A_5 : vector<16xi1>, vector<16xf32>
      %add3A_734 = arith.addf %add3A_655, %select_n3A_733 : vector<16xf32>
      %scan3A_735 = arith.constant 4 : i32
      %scan3A_736 = arith.addi %scan3A_411, %scan3A_735 : i32
      %mul3A_737 = arith.constant 16 : i32
      %mul3A_738 = arith.muli %scan3A_736, %mul3A_737 : i32
      %get3A_739 = arith.index_cast %mul3A_738 : i32 to index
      %get3A_740 = tpu.vector_load %arg5[%get3A_739] {strides = array<i32>} : memref<3136xf32, #tpu.memory_space<vmem>>, vector<16xf32>,
      %get3A_741 = vector.shape_cast %get3A_740 : vector<16xf32> to vector<16xf32>
      %get3A_742 = arith.constant 1 : i32
      %get3A_743 = arith.index_cast %get3A_742 : i32 to index
      %get3A_744 = arith.constant 0 : index
      %get3A_745 = tpu.vector_load %arg6[%get3A_743, %get3A_744] {strides = array<i32>} : memref<16x16xf32, #tpu.memory_space<vmem>>, vector<1x16xf32>,
      %get3A_746 = vector.shape_cast %get3A_745 : vector<1x16xf32> to vector<16xf32>
      %ge3A_747 = arith.cmpf oge, %get3A_741, %get3A_746 : vector<16xf32>
      %select_n3A_748 = arith.select %ge3A_747, %broadcast_in_dim3A_3, %broadcast_in_dim3A_5 : vector<16xi1>, vector<16xf32>
      %add3A_749 = arith.addf %add3A_670, %select_n3A_748 : vector<16xf32>
      %get3A_750 = arith.constant 2 : i32
      %get3A_751 = arith.index_cast %get3A_750 : i32 to index
      %get3A_752 = arith.constant 0 : index
      %get3A_753 = tpu.vector_load %arg6[%get3A_751, %get3A_752] {strides = array<i32>} : memref<16x16xf32, #tpu.memory_space<vmem>>, vector<1x16xf32>,
      %get3A_754 = vector.shape_cast %get3A_753 : vector<1x16xf32> to vector<16xf32>
      %ge3A_755 = arith.cmpf oge, %get3A_741, %get3A_754 : vector<16xf32>
      %select_n3A_756 = arith.select %ge3A_755, %broadcast_in_dim3A_3, %broadcast_in_dim3A_5 : vector<16xi1>, vector<16xf32>
      %add3A_757 = arith.addf %add3A_678, %select_n3A_756 : vector<16xf32>
      %get3A_758 = arith.constant 3 : i32
      %get3A_759 = arith.index_cast %get3A_758 : i32 to index
      %get3A_760 = arith.constant 0 : index
      %get3A_761 = tpu.vector_load %arg6[%get3A_759, %get3A_760] {strides = array<i32>} : memref<16x16xf32, #tpu.memory_space<vmem>>, vector<1x16xf32>,
      %get3A_762 = vector.shape_cast %get3A_761 : vector<1x16xf32> to vector<16xf32>
      %ge3A_763 = arith.cmpf oge, %get3A_741, %get3A_762 : vector<16xf32>
      %select_n3A_764 = arith.select %ge3A_763, %broadcast_in_dim3A_3, %broadcast_in_dim3A_5 : vector<16xi1>, vector<16xf32>
      %add3A_765 = arith.addf %add3A_686, %select_n3A_764 : vector<16xf32>
      %get3A_766 = arith.constant 4 : i32
      %get3A_767 = arith.index_cast %get3A_766 : i32 to index
      %get3A_768 = arith.constant 0 : index
      %get3A_769 = tpu.vector_load %arg6[%get3A_767, %get3A_768] {strides = array<i32>} : memref<16x16xf32, #tpu.memory_space<vmem>>, vector<1x16xf32>,
      %get3A_770 = vector.shape_cast %get3A_769 : vector<1x16xf32> to vector<16xf32>
      %ge3A_771 = arith.cmpf oge, %get3A_741, %get3A_770 : vector<16xf32>
      %select_n3A_772 = arith.select %ge3A_771, %broadcast_in_dim3A_3, %broadcast_in_dim3A_5 : vector<16xi1>, vector<16xf32>
      %add3A_773 = arith.addf %add3A_694, %select_n3A_772 : vector<16xf32>
      %get3A_774 = arith.constant 5 : i32
      %get3A_775 = arith.index_cast %get3A_774 : i32 to index
      %get3A_776 = arith.constant 0 : index
      %get3A_777 = tpu.vector_load %arg6[%get3A_775, %get3A_776] {strides = array<i32>} : memref<16x16xf32, #tpu.memory_space<vmem>>, vector<1x16xf32>,
      %get3A_778 = vector.shape_cast %get3A_777 : vector<1x16xf32> to vector<16xf32>
      %ge3A_779 = arith.cmpf oge, %get3A_741, %get3A_778 : vector<16xf32>
      %select_n3A_780 = arith.select %ge3A_779, %broadcast_in_dim3A_3, %broadcast_in_dim3A_5 : vector<16xi1>, vector<16xf32>
      %add3A_781 = arith.addf %add3A_702, %select_n3A_780 : vector<16xf32>
      %get3A_782 = arith.constant 6 : i32
      %get3A_783 = arith.index_cast %get3A_782 : i32 to index
      %get3A_784 = arith.constant 0 : index
      %get3A_785 = tpu.vector_load %arg6[%get3A_783, %get3A_784] {strides = array<i32>} : memref<16x16xf32, #tpu.memory_space<vmem>>, vector<1x16xf32>,
      %get3A_786 = vector.shape_cast %get3A_785 : vector<1x16xf32> to vector<16xf32>
      %ge3A_787 = arith.cmpf oge, %get3A_741, %get3A_786 : vector<16xf32>
      %select_n3A_788 = arith.select %ge3A_787, %broadcast_in_dim3A_3, %broadcast_in_dim3A_5 : vector<16xi1>, vector<16xf32>
      %add3A_789 = arith.addf %add3A_710, %select_n3A_788 : vector<16xf32>
      %get3A_790 = arith.constant 7 : i32
      %get3A_791 = arith.index_cast %get3A_790 : i32 to index
      %get3A_792 = arith.constant 0 : index
      %get3A_793 = tpu.vector_load %arg6[%get3A_791, %get3A_792] {strides = array<i32>} : memref<16x16xf32, #tpu.memory_space<vmem>>, vector<1x16xf32>,
      %get3A_794 = vector.shape_cast %get3A_793 : vector<1x16xf32> to vector<16xf32>
      %ge3A_795 = arith.cmpf oge, %get3A_741, %get3A_794 : vector<16xf32>
      %select_n3A_796 = arith.select %ge3A_795, %broadcast_in_dim3A_3, %broadcast_in_dim3A_5 : vector<16xi1>, vector<16xf32>
      %add3A_797 = arith.addf %add3A_718, %select_n3A_796 : vector<16xf32>
      %get3A_798 = arith.constant 8 : i32
      %get3A_799 = arith.index_cast %get3A_798 : i32 to index
      %get3A_800 = arith.constant 0 : index
      %get3A_801 = tpu.vector_load %arg6[%get3A_799, %get3A_800] {strides = array<i32>} : memref<16x16xf32, #tpu.memory_space<vmem>>, vector<1x16xf32>,
      %get3A_802 = vector.shape_cast %get3A_801 : vector<1x16xf32> to vector<16xf32>
      %ge3A_803 = arith.cmpf oge, %get3A_741, %get3A_802 : vector<16xf32>
      %select_n3A_804 = arith.select %ge3A_803, %broadcast_in_dim3A_3, %broadcast_in_dim3A_5 : vector<16xi1>, vector<16xf32>
      %add3A_805 = arith.addf %add3A_726, %select_n3A_804 : vector<16xf32>
      %get3A_806 = arith.constant 9 : i32
      %get3A_807 = arith.index_cast %get3A_806 : i32 to index
      %get3A_808 = arith.constant 0 : index
      %get3A_809 = tpu.vector_load %arg6[%get3A_807, %get3A_808] {strides = array<i32>} : memref<16x16xf32, #tpu.memory_space<vmem>>, vector<1x16xf32>,
      %get3A_810 = vector.shape_cast %get3A_809 : vector<1x16xf32> to vector<16xf32>
      %ge3A_811 = arith.cmpf oge, %get3A_741, %get3A_810 : vector<16xf32>
      %select_n3A_812 = arith.select %ge3A_811, %broadcast_in_dim3A_3, %broadcast_in_dim3A_5 : vector<16xi1>, vector<16xf32>
      %add3A_813 = arith.addf %add3A_734, %select_n3A_812 : vector<16xf32>
      %scan3A_814 = arith.constant 5 : i32
      %scan3A_815 = arith.addi %scan3A_411, %scan3A_814 : i32
      %mul3A_816 = arith.constant 16 : i32
      %mul3A_817 = arith.muli %scan3A_815, %mul3A_816 : i32
      %get3A_818 = arith.index_cast %mul3A_817 : i32 to index
      %get3A_819 = tpu.vector_load %arg5[%get3A_818] {strides = array<i32>} : memref<3136xf32, #tpu.memory_space<vmem>>, vector<16xf32>,
      %get3A_820 = vector.shape_cast %get3A_819 : vector<16xf32> to vector<16xf32>
      %get3A_821 = arith.constant 1 : i32
      %get3A_822 = arith.index_cast %get3A_821 : i32 to index
      %get3A_823 = arith.constant 0 : index
      %get3A_824 = tpu.vector_load %arg6[%get3A_822, %get3A_823] {strides = array<i32>} : memref<16x16xf32, #tpu.memory_space<vmem>>, vector<1x16xf32>,
      %get3A_825 = vector.shape_cast %get3A_824 : vector<1x16xf32> to vector<16xf32>
      %ge3A_826 = arith.cmpf oge, %get3A_820, %get3A_825 : vector<16xf32>
      %select_n3A_827 = arith.select %ge3A_826, %broadcast_in_dim3A_3, %broadcast_in_dim3A_5 : vector<16xi1>, vector<16xf32>
      %add3A_828 = arith.addf %add3A_749, %select_n3A_827 : vector<16xf32>
      %get3A_829 = arith.constant 2 : i32
      %get3A_830 = arith.index_cast %get3A_829 : i32 to index
      %get3A_831 = arith.constant 0 : index
      %get3A_832 = tpu.vector_load %arg6[%get3A_830, %get3A_831] {strides = array<i32>} : memref<16x16xf32, #tpu.memory_space<vmem>>, vector<1x16xf32>,
      %get3A_833 = vector.shape_cast %get3A_832 : vector<1x16xf32> to vector<16xf32>
      %ge3A_834 = arith.cmpf oge, %get3A_820, %get3A_833 : vector<16xf32>
      %select_n3A_835 = arith.select %ge3A_834, %broadcast_in_dim3A_3, %broadcast_in_dim3A_5 : vector<16xi1>, vector<16xf32>
      %add3A_836 = arith.addf %add3A_757, %select_n3A_835 : vector<16xf32>
      %get3A_837 = arith.constant 3 : i32
      %get3A_838 = arith.index_cast %get3A_837 : i32 to index
      %get3A_839 = arith.constant 0 : index
      %get3A_840 = tpu.vector_load %arg6[%get3A_838, %get3A_839] {strides = array<i32>} : memref<16x16xf32, #tpu.memory_space<vmem>>, vector<1x16xf32>,
      %get3A_841 = vector.shape_cast %get3A_840 : vector<1x16xf32> to vector<16xf32>
      %ge3A_842 = arith.cmpf oge, %get3A_820, %get3A_841 : vector<16xf32>
      %select_n3A_843 = arith.select %ge3A_842, %broadcast_in_dim3A_3, %broadcast_in_dim3A_5 : vector<16xi1>, vector<16xf32>
      %add3A_844 = arith.addf %add3A_765, %select_n3A_843 : vector<16xf32>
      %get3A_845 = arith.constant 4 : i32
      %get3A_846 = arith.index_cast %get3A_845 : i32 to index
      %get3A_847 = arith.constant 0 : index
      %get3A_848 = tpu.vector_load %arg6[%get3A_846, %get3A_847] {strides = array<i32>} : memref<16x16xf32, #tpu.memory_space<vmem>>, vector<1x16xf32>,
      %get3A_849 = vector.shape_cast %get3A_848 : vector<1x16xf32> to vector<16xf32>
      %ge3A_850 = arith.cmpf oge, %get3A_820, %get3A_849 : vector<16xf32>
      %select_n3A_851 = arith.select %ge3A_850, %broadcast_in_dim3A_3, %broadcast_in_dim3A_5 : vector<16xi1>, vector<16xf32>
      %add3A_852 = arith.addf %add3A_773, %select_n3A_851 : vector<16xf32>
      %get3A_853 = arith.constant 5 : i32
      %get3A_854 = arith.index_cast %get3A_853 : i32 to index
      %get3A_855 = arith.constant 0 : index
      %get3A_856 = tpu.vector_load %arg6[%get3A_854, %get3A_855] {strides = array<i32>} : memref<16x16xf32, #tpu.memory_space<vmem>>, vector<1x16xf32>,
      %get3A_857 = vector.shape_cast %get3A_856 : vector<1x16xf32> to vector<16xf32>
      %ge3A_858 = arith.cmpf oge, %get3A_820, %get3A_857 : vector<16xf32>
      %select_n3A_859 = arith.select %ge3A_858, %broadcast_in_dim3A_3, %broadcast_in_dim3A_5 : vector<16xi1>, vector<16xf32>
      %add3A_860 = arith.addf %add3A_781, %select_n3A_859 : vector<16xf32>
      %get3A_861 = arith.constant 6 : i32
      %get3A_862 = arith.index_cast %get3A_861 : i32 to index
      %get3A_863 = arith.constant 0 : index
      %get3A_864 = tpu.vector_load %arg6[%get3A_862, %get3A_863] {strides = array<i32>} : memref<16x16xf32, #tpu.memory_space<vmem>>, vector<1x16xf32>,
      %get3A_865 = vector.shape_cast %get3A_864 : vector<1x16xf32> to vector<16xf32>
      %ge3A_866 = arith.cmpf oge, %get3A_820, %get3A_865 : vector<16xf32>
      %select_n3A_867 = arith.select %ge3A_866, %broadcast_in_dim3A_3, %broadcast_in_dim3A_5 : vector<16xi1>, vector<16xf32>
      %add3A_868 = arith.addf %add3A_789, %select_n3A_867 : vector<16xf32>
      %get3A_869 = arith.constant 7 : i32
      %get3A_870 = arith.index_cast %get3A_869 : i32 to index
      %get3A_871 = arith.constant 0 : index
      %get3A_872 = tpu.vector_load %arg6[%get3A_870, %get3A_871] {strides = array<i32>} : memref<16x16xf32, #tpu.memory_space<vmem>>, vector<1x16xf32>,
      %get3A_873 = vector.shape_cast %get3A_872 : vector<1x16xf32> to vector<16xf32>
      %ge3A_874 = arith.cmpf oge, %get3A_820, %get3A_873 : vector<16xf32>
      %select_n3A_875 = arith.select %ge3A_874, %broadcast_in_dim3A_3, %broadcast_in_dim3A_5 : vector<16xi1>, vector<16xf32>
      %add3A_876 = arith.addf %add3A_797, %select_n3A_875 : vector<16xf32>
      %get3A_877 = arith.constant 8 : i32
      %get3A_878 = arith.index_cast %get3A_877 : i32 to index
      %get3A_879 = arith.constant 0 : index
      %get3A_880 = tpu.vector_load %arg6[%get3A_878, %get3A_879] {strides = array<i32>} : memref<16x16xf32, #tpu.memory_space<vmem>>, vector<1x16xf32>,
      %get3A_881 = vector.shape_cast %get3A_880 : vector<1x16xf32> to vector<16xf32>
      %ge3A_882 = arith.cmpf oge, %get3A_820, %get3A_881 : vector<16xf32>
      %select_n3A_883 = arith.select %ge3A_882, %broadcast_in_dim3A_3, %broadcast_in_dim3A_5 : vector<16xi1>, vector<16xf32>
      %add3A_884 = arith.addf %add3A_805, %select_n3A_883 : vector<16xf32>
      %get3A_885 = arith.constant 9 : i32
      %get3A_886 = arith.index_cast %get3A_885 : i32 to index
      %get3A_887 = arith.constant 0 : index
      %get3A_888 = tpu.vector_load %arg6[%get3A_886, %get3A_887] {strides = array<i32>} : memref<16x16xf32, #tpu.memory_space<vmem>>, vector<1x16xf32>,
      %get3A_889 = vector.shape_cast %get3A_888 : vector<1x16xf32> to vector<16xf32>
      %ge3A_890 = arith.cmpf oge, %get3A_820, %get3A_889 : vector<16xf32>
      %select_n3A_891 = arith.select %ge3A_890, %broadcast_in_dim3A_3, %broadcast_in_dim3A_5 : vector<16xi1>, vector<16xf32>
      %add3A_892 = arith.addf %add3A_813, %select_n3A_891 : vector<16xf32>
      %scan3A_893 = arith.constant 6 : i32
      %scan3A_894 = arith.addi %scan3A_411, %scan3A_893 : i32
      %mul3A_895 = arith.constant 16 : i32
      %mul3A_896 = arith.muli %scan3A_894, %mul3A_895 : i32
      %get3A_897 = arith.index_cast %mul3A_896 : i32 to index
      %get3A_898 = tpu.vector_load %arg5[%get3A_897] {strides = array<i32>} : memref<3136xf32, #tpu.memory_space<vmem>>, vector<16xf32>,
      %get3A_899 = vector.shape_cast %get3A_898 : vector<16xf32> to vector<16xf32>
      %get3A_900 = arith.constant 1 : i32
      %get3A_901 = arith.index_cast %get3A_900 : i32 to index
      %get3A_902 = arith.constant 0 : index
      %get3A_903 = tpu.vector_load %arg6[%get3A_901, %get3A_902] {strides = array<i32>} : memref<16x16xf32, #tpu.memory_space<vmem>>, vector<1x16xf32>,
      %get3A_904 = vector.shape_cast %get3A_903 : vector<1x16xf32> to vector<16xf32>
      %ge3A_905 = arith.cmpf oge, %get3A_899, %get3A_904 : vector<16xf32>
      %select_n3A_906 = arith.select %ge3A_905, %broadcast_in_dim3A_3, %broadcast_in_dim3A_5 : vector<16xi1>, vector<16xf32>
      %add3A_907 = arith.addf %add3A_828, %select_n3A_906 : vector<16xf32>
      %get3A_908 = arith.constant 2 : i32
      %get3A_909 = arith.index_cast %get3A_908 : i32 to index
      %get3A_910 = arith.constant 0 : index
      %get3A_911 = tpu.vector_load %arg6[%get3A_909, %get3A_910] {strides = array<i32>} : memref<16x16xf32, #tpu.memory_space<vmem>>, vector<1x16xf32>,
      %get3A_912 = vector.shape_cast %get3A_911 : vector<1x16xf32> to vector<16xf32>
      %ge3A_913 = arith.cmpf oge, %get3A_899, %get3A_912 : vector<16xf32>
      %select_n3A_914 = arith.select %ge3A_913, %broadcast_in_dim3A_3, %broadcast_in_dim3A_5 : vector<16xi1>, vector<16xf32>
      %add3A_915 = arith.addf %add3A_836, %select_n3A_914 : vector<16xf32>
      %get3A_916 = arith.constant 3 : i32
      %get3A_917 = arith.index_cast %get3A_916 : i32 to index
      %get3A_918 = arith.constant 0 : index
      %get3A_919 = tpu.vector_load %arg6[%get3A_917, %get3A_918] {strides = array<i32>} : memref<16x16xf32, #tpu.memory_space<vmem>>, vector<1x16xf32>,
      %get3A_920 = vector.shape_cast %get3A_919 : vector<1x16xf32> to vector<16xf32>
      %ge3A_921 = arith.cmpf oge, %get3A_899, %get3A_920 : vector<16xf32>
      %select_n3A_922 = arith.select %ge3A_921, %broadcast_in_dim3A_3, %broadcast_in_dim3A_5 : vector<16xi1>, vector<16xf32>
      %add3A_923 = arith.addf %add3A_844, %select_n3A_922 : vector<16xf32>
      %get3A_924 = arith.constant 4 : i32
      %get3A_925 = arith.index_cast %get3A_924 : i32 to index
      %get3A_926 = arith.constant 0 : index
      %get3A_927 = tpu.vector_load %arg6[%get3A_925, %get3A_926] {strides = array<i32>} : memref<16x16xf32, #tpu.memory_space<vmem>>, vector<1x16xf32>,
      %get3A_928 = vector.shape_cast %get3A_927 : vector<1x16xf32> to vector<16xf32>
      %ge3A_929 = arith.cmpf oge, %get3A_899, %get3A_928 : vector<16xf32>
      %select_n3A_930 = arith.select %ge3A_929, %broadcast_in_dim3A_3, %broadcast_in_dim3A_5 : vector<16xi1>, vector<16xf32>
      %add3A_931 = arith.addf %add3A_852, %select_n3A_930 : vector<16xf32>
      %get3A_932 = arith.constant 5 : i32
      %get3A_933 = arith.index_cast %get3A_932 : i32 to index
      %get3A_934 = arith.constant 0 : index
      %get3A_935 = tpu.vector_load %arg6[%get3A_933, %get3A_934] {strides = array<i32>} : memref<16x16xf32, #tpu.memory_space<vmem>>, vector<1x16xf32>,
      %get3A_936 = vector.shape_cast %get3A_935 : vector<1x16xf32> to vector<16xf32>
      %ge3A_937 = arith.cmpf oge, %get3A_899, %get3A_936 : vector<16xf32>
      %select_n3A_938 = arith.select %ge3A_937, %broadcast_in_dim3A_3, %broadcast_in_dim3A_5 : vector<16xi1>, vector<16xf32>
      %add3A_939 = arith.addf %add3A_860, %select_n3A_938 : vector<16xf32>
      %get3A_940 = arith.constant 6 : i32
      %get3A_941 = arith.index_cast %get3A_940 : i32 to index
      %get3A_942 = arith.constant 0 : index
      %get3A_943 = tpu.vector_load %arg6[%get3A_941, %get3A_942] {strides = array<i32>} : memref<16x16xf32, #tpu.memory_space<vmem>>, vector<1x16xf32>,
      %get3A_944 = vector.shape_cast %get3A_943 : vector<1x16xf32> to vector<16xf32>
      %ge3A_945 = arith.cmpf oge, %get3A_899, %get3A_944 : vector<16xf32>
      %select_n3A_946 = arith.select %ge3A_945, %broadcast_in_dim3A_3, %broadcast_in_dim3A_5 : vector<16xi1>, vector<16xf32>
      %add3A_947 = arith.addf %add3A_868, %select_n3A_946 : vector<16xf32>
      %get3A_948 = arith.constant 7 : i32
      %get3A_949 = arith.index_cast %get3A_948 : i32 to index
      %get3A_950 = arith.constant 0 : index
      %get3A_951 = tpu.vector_load %arg6[%get3A_949, %get3A_950] {strides = array<i32>} : memref<16x16xf32, #tpu.memory_space<vmem>>, vector<1x16xf32>,
      %get3A_952 = vector.shape_cast %get3A_951 : vector<1x16xf32> to vector<16xf32>
      %ge3A_953 = arith.cmpf oge, %get3A_899, %get3A_952 : vector<16xf32>
      %select_n3A_954 = arith.select %ge3A_953, %broadcast_in_dim3A_3, %broadcast_in_dim3A_5 : vector<16xi1>, vector<16xf32>
      %add3A_955 = arith.addf %add3A_876, %select_n3A_954 : vector<16xf32>
      %get3A_956 = arith.constant 8 : i32
      %get3A_957 = arith.index_cast %get3A_956 : i32 to index
      %get3A_958 = arith.constant 0 : index
      %get3A_959 = tpu.vector_load %arg6[%get3A_957, %get3A_958] {strides = array<i32>} : memref<16x16xf32, #tpu.memory_space<vmem>>, vector<1x16xf32>,
      %get3A_960 = vector.shape_cast %get3A_959 : vector<1x16xf32> to vector<16xf32>
      %ge3A_961 = arith.cmpf oge, %get3A_899, %get3A_960 : vector<16xf32>
      %select_n3A_962 = arith.select %ge3A_961, %broadcast_in_dim3A_3, %broadcast_in_dim3A_5 : vector<16xi1>, vector<16xf32>
      %add3A_963 = arith.addf %add3A_884, %select_n3A_962 : vector<16xf32>
      %get3A_964 = arith.constant 9 : i32
      %get3A_965 = arith.index_cast %get3A_964 : i32 to index
      %get3A_966 = arith.constant 0 : index
      %get3A_967 = tpu.vector_load %arg6[%get3A_965, %get3A_966] {strides = array<i32>} : memref<16x16xf32, #tpu.memory_space<vmem>>, vector<1x16xf32>,
      %get3A_968 = vector.shape_cast %get3A_967 : vector<1x16xf32> to vector<16xf32>
      %ge3A_969 = arith.cmpf oge, %get3A_899, %get3A_968 : vector<16xf32>
      %select_n3A_970 = arith.select %ge3A_969, %broadcast_in_dim3A_3, %broadcast_in_dim3A_5 : vector<16xi1>, vector<16xf32>
      %add3A_971 = arith.addf %add3A_892, %select_n3A_970 : vector<16xf32>
      %scan3A_972 = arith.constant 7 : i32
      %scan3A_973 = arith.addi %scan3A_411, %scan3A_972 : i32
      %mul3A_974 = arith.constant 16 : i32
      %mul3A_975 = arith.muli %scan3A_973, %mul3A_974 : i32
      %get3A_976 = arith.index_cast %mul3A_975 : i32 to index
      %get3A_977 = tpu.vector_load %arg5[%get3A_976] {strides = array<i32>} : memref<3136xf32, #tpu.memory_space<vmem>>, vector<16xf32>,
      %get3A_978 = vector.shape_cast %get3A_977 : vector<16xf32> to vector<16xf32>
      %get3A_979 = arith.constant 1 : i32
      %get3A_980 = arith.index_cast %get3A_979 : i32 to index
      %get3A_981 = arith.constant 0 : index
      %get3A_982 = tpu.vector_load %arg6[%get3A_980, %get3A_981] {strides = array<i32>} : memref<16x16xf32, #tpu.memory_space<vmem>>, vector<1x16xf32>,
      %get3A_983 = vector.shape_cast %get3A_982 : vector<1x16xf32> to vector<16xf32>
      %ge3A_984 = arith.cmpf oge, %get3A_978, %get3A_983 : vector<16xf32>
      %select_n3A_985 = arith.select %ge3A_984, %broadcast_in_dim3A_3, %broadcast_in_dim3A_5 : vector<16xi1>, vector<16xf32>
      %add3A_986 = arith.addf %add3A_907, %select_n3A_985 : vector<16xf32>
      %get3A_987 = arith.constant 2 : i32
      %get3A_988 = arith.index_cast %get3A_987 : i32 to index
      %get3A_989 = arith.constant 0 : index
      %get3A_990 = tpu.vector_load %arg6[%get3A_988, %get3A_989] {strides = array<i32>} : memref<16x16xf32, #tpu.memory_space<vmem>>, vector<1x16xf32>,
      %get3A_991 = vector.shape_cast %get3A_990 : vector<1x16xf32> to vector<16xf32>
      %ge3A_992 = arith.cmpf oge, %get3A_978, %get3A_991 : vector<16xf32>
      %select_n3A_993 = arith.select %ge3A_992, %broadcast_in_dim3A_3, %broadcast_in_dim3A_5 : vector<16xi1>, vector<16xf32>
      %add3A_994 = arith.addf %add3A_915, %select_n3A_993 : vector<16xf32>
      %get3A_995 = arith.constant 3 : i32
      %get3A_996 = arith.index_cast %get3A_995 : i32 to index
      %get3A_997 = arith.constant 0 : index
      %get3A_998 = tpu.vector_load %arg6[%get3A_996, %get3A_997] {strides = array<i32>} : memref<16x16xf32, #tpu.memory_space<vmem>>, vector<1x16xf32>,
      %get3A_999 = vector.shape_cast %get3A_998 : vector<1x16xf32> to vector<16xf32>
      %ge3A_1000 = arith.cmpf oge, %get3A_978, %get3A_999 : vector<16xf32>
      %select_n3A_1001 = arith.select %ge3A_1000, %broadcast_in_dim3A_3, %broadcast_in_dim3A_5 : vector<16xi1>, vector<16xf32>
      %add3A_1002 = arith.addf %add3A_923, %select_n3A_1001 : vector<16xf32>
      %get3A_1003 = arith.constant 4 : i32
      %get3A_1004 = arith.index_cast %get3A_1003 : i32 to index
      %get3A_1005 = arith.constant 0 : index
      %get3A_1006 = tpu.vector_load %arg6[%get3A_1004, %get3A_1005] {strides = array<i32>} : memref<16x16xf32, #tpu.memory_space<vmem>>, vector<1x16xf32>,
      %get3A_1007 = vector.shape_cast %get3A_1006 : vector<1x16xf32> to vector<16xf32>
      %ge3A_1008 = arith.cmpf oge, %get3A_978, %get3A_1007 : vector<16xf32>
      %select_n3A_1009 = arith.select %ge3A_1008, %broadcast_in_dim3A_3, %broadcast_in_dim3A_5 : vector<16xi1>, vector<16xf32>
      %add3A_1010 = arith.addf %add3A_931, %select_n3A_1009 : vector<16xf32>
      %get3A_1011 = arith.constant 5 : i32
      %get3A_1012 = arith.index_cast %get3A_1011 : i32 to index
      %get3A_1013 = arith.constant 0 : index
      %get3A_1014 = tpu.vector_load %arg6[%get3A_1012, %get3A_1013] {strides = array<i32>} : memref<16x16xf32, #tpu.memory_space<vmem>>, vector<1x16xf32>,
      %get3A_1015 = vector.shape_cast %get3A_1014 : vector<1x16xf32> to vector<16xf32>
      %ge3A_1016 = arith.cmpf oge, %get3A_978, %get3A_1015 : vector<16xf32>
      %select_n3A_1017 = arith.select %ge3A_1016, %broadcast_in_dim3A_3, %broadcast_in_dim3A_5 : vector<16xi1>, vector<16xf32>
      %add3A_1018 = arith.addf %add3A_939, %select_n3A_1017 : vector<16xf32>
      %get3A_1019 = arith.constant 6 : i32
      %get3A_1020 = arith.index_cast %get3A_1019 : i32 to index
      %get3A_1021 = arith.constant 0 : index
      %get3A_1022 = tpu.vector_load %arg6[%get3A_1020, %get3A_1021] {strides = array<i32>} : memref<16x16xf32, #tpu.memory_space<vmem>>, vector<1x16xf32>,
      %get3A_1023 = vector.shape_cast %get3A_1022 : vector<1x16xf32> to vector<16xf32>
      %ge3A_1024 = arith.cmpf oge, %get3A_978, %get3A_1023 : vector<16xf32>
      %select_n3A_1025 = arith.select %ge3A_1024, %broadcast_in_dim3A_3, %broadcast_in_dim3A_5 : vector<16xi1>, vector<16xf32>
      %add3A_1026 = arith.addf %add3A_947, %select_n3A_1025 : vector<16xf32>
      %get3A_1027 = arith.constant 7 : i32
      %get3A_1028 = arith.index_cast %get3A_1027 : i32 to index
      %get3A_1029 = arith.constant 0 : index
      %get3A_1030 = tpu.vector_load %arg6[%get3A_1028, %get3A_1029] {strides = array<i32>} : memref<16x16xf32, #tpu.memory_space<vmem>>, vector<1x16xf32>,
      %get3A_1031 = vector.shape_cast %get3A_1030 : vector<1x16xf32> to vector<16xf32>
      %ge3A_1032 = arith.cmpf oge, %get3A_978, %get3A_1031 : vector<16xf32>
      %select_n3A_1033 = arith.select %ge3A_1032, %broadcast_in_dim3A_3, %broadcast_in_dim3A_5 : vector<16xi1>, vector<16xf32>
      %add3A_1034 = arith.addf %add3A_955, %select_n3A_1033 : vector<16xf32>
      %get3A_1035 = arith.constant 8 : i32
      %get3A_1036 = arith.index_cast %get3A_1035 : i32 to index
      %get3A_1037 = arith.constant 0 : index
      %get3A_1038 = tpu.vector_load %arg6[%get3A_1036, %get3A_1037] {strides = array<i32>} : memref<16x16xf32, #tpu.memory_space<vmem>>, vector<1x16xf32>,
      %get3A_1039 = vector.shape_cast %get3A_1038 : vector<1x16xf32> to vector<16xf32>
      %ge3A_1040 = arith.cmpf oge, %get3A_978, %get3A_1039 : vector<16xf32>
      %select_n3A_1041 = arith.select %ge3A_1040, %broadcast_in_dim3A_3, %broadcast_in_dim3A_5 : vector<16xi1>, vector<16xf32>
      %add3A_1042 = arith.addf %add3A_963, %select_n3A_1041 : vector<16xf32>
      %get3A_1043 = arith.constant 9 : i32
      %get3A_1044 = arith.index_cast %get3A_1043 : i32 to index
      %get3A_1045 = arith.constant 0 : index
      %get3A_1046 = tpu.vector_load %arg6[%get3A_1044, %get3A_1045] {strides = array<i32>} : memref<16x16xf32, #tpu.memory_space<vmem>>, vector<1x16xf32>,
      %get3A_1047 = vector.shape_cast %get3A_1046 : vector<1x16xf32> to vector<16xf32>
      %ge3A_1048 = arith.cmpf oge, %get3A_978, %get3A_1047 : vector<16xf32>
      %select_n3A_1049 = arith.select %ge3A_1048, %broadcast_in_dim3A_3, %broadcast_in_dim3A_5 : vector<16xi1>, vector<16xf32>
      %add3A_1050 = arith.addf %add3A_971, %select_n3A_1049 : vector<16xf32>
      scf.yield %add3A_986, %add3A_994, %add3A_1002, %add3A_1010, %add3A_1018, %add3A_1026, %add3A_1034, %add3A_1042, %add3A_1050 : vector<16xf32>, vector<16xf32>, vector<16xf32>, vector<16xf32>, vector<16xf32>, vector<16xf32>, vector<16xf32>, vector<16xf32>, vector<16xf32>
    }
    %scan3A_28 = arith.constant 192 : i32
    %scan3A_29 = arith.addi %scan3A, %scan3A_28 : i32
    %mul3A_30 = arith.constant 16 : i32
    %mul3A_31 = arith.muli %scan3A_29, %mul3A_30 : i32
    %get3A = arith.index_cast %mul3A_31 : i32 to index
    %get3A_32 = tpu.vector_load %arg5[%get3A] {strides = array<i32>} : memref<3136xf32, #tpu.memory_space<vmem>>, vector<16xf32>,
    %get3A_33 = vector.shape_cast %get3A_32 : vector<16xf32> to vector<16xf32>
    %get3A_34 = arith.constant 1 : i32
    %get3A_35 = arith.index_cast %get3A_34 : i32 to index
    %get3A_36 = arith.constant 0 : index
    %get3A_37 = tpu.vector_load %arg6[%get3A_35, %get3A_36] {strides = array<i32>} : memref<16x16xf32, #tpu.memory_space<vmem>>, vector<1x16xf32>,
    %get3A_38 = vector.shape_cast %get3A_37 : vector<1x16xf32> to vector<16xf32>
    %ge3A = arith.cmpf oge, %get3A_33, %get3A_38 : vector<16xf32>
    %select_n3A = arith.select %ge3A, %broadcast_in_dim3A_3, %broadcast_in_dim3A_5 : vector<16xi1>, vector<16xf32>
    %add3A_39 = arith.addf %scan3A_27#0, %select_n3A : vector<16xf32>
    %get3A_40 = arith.constant 2 : i32
    %get3A_41 = arith.index_cast %get3A_40 : i32 to index
    %get3A_42 = arith.constant 0 : index
    %get3A_43 = tpu.vector_load %arg6[%get3A_41, %get3A_42] {strides = array<i32>} : memref<16x16xf32, #tpu.memory_space<vmem>>, vector<1x16xf32>,
    %get3A_44 = vector.shape_cast %get3A_43 : vector<1x16xf32> to vector<16xf32>
    %ge3A_45 = arith.cmpf oge, %get3A_33, %get3A_44 : vector<16xf32>
    %select_n3A_46 = arith.select %ge3A_45, %broadcast_in_dim3A_3, %broadcast_in_dim3A_5 : vector<16xi1>, vector<16xf32>
    %add3A_47 = arith.addf %scan3A_27#1, %select_n3A_46 : vector<16xf32>
    %get3A_48 = arith.constant 3 : i32
    %get3A_49 = arith.index_cast %get3A_48 : i32 to index
    %get3A_50 = arith.constant 0 : index
    %get3A_51 = tpu.vector_load %arg6[%get3A_49, %get3A_50] {strides = array<i32>} : memref<16x16xf32, #tpu.memory_space<vmem>>, vector<1x16xf32>,
    %get3A_52 = vector.shape_cast %get3A_51 : vector<1x16xf32> to vector<16xf32>
    %ge3A_53 = arith.cmpf oge, %get3A_33, %get3A_52 : vector<16xf32>
    %select_n3A_54 = arith.select %ge3A_53, %broadcast_in_dim3A_3, %broadcast_in_dim3A_5 : vector<16xi1>, vector<16xf32>
    %add3A_55 = arith.addf %scan3A_27#2, %select_n3A_54 : vector<16xf32>
    %get3A_56 = arith.constant 4 : i32
    %get3A_57 = arith.index_cast %get3A_56 : i32 to index
    %get3A_58 = arith.constant 0 : index
    %get3A_59 = tpu.vector_load %arg6[%get3A_57, %get3A_58] {strides = array<i32>} : memref<16x16xf32, #tpu.memory_space<vmem>>, vector<1x16xf32>,
    %get3A_60 = vector.shape_cast %get3A_59 : vector<1x16xf32> to vector<16xf32>
    %ge3A_61 = arith.cmpf oge, %get3A_33, %get3A_60 : vector<16xf32>
    %select_n3A_62 = arith.select %ge3A_61, %broadcast_in_dim3A_3, %broadcast_in_dim3A_5 : vector<16xi1>, vector<16xf32>
    %add3A_63 = arith.addf %scan3A_27#3, %select_n3A_62 : vector<16xf32>
    %get3A_64 = arith.constant 5 : i32
    %get3A_65 = arith.index_cast %get3A_64 : i32 to index
    %get3A_66 = arith.constant 0 : index
    %get3A_67 = tpu.vector_load %arg6[%get3A_65, %get3A_66] {strides = array<i32>} : memref<16x16xf32, #tpu.memory_space<vmem>>, vector<1x16xf32>,
    %get3A_68 = vector.shape_cast %get3A_67 : vector<1x16xf32> to vector<16xf32>
    %ge3A_69 = arith.cmpf oge, %get3A_33, %get3A_68 : vector<16xf32>
    %select_n3A_70 = arith.select %ge3A_69, %broadcast_in_dim3A_3, %broadcast_in_dim3A_5 : vector<16xi1>, vector<16xf32>
    %add3A_71 = arith.addf %scan3A_27#4, %select_n3A_70 : vector<16xf32>
    %get3A_72 = arith.constant 6 : i32
    %get3A_73 = arith.index_cast %get3A_72 : i32 to index
    %get3A_74 = arith.constant 0 : index
    %get3A_75 = tpu.vector_load %arg6[%get3A_73, %get3A_74] {strides = array<i32>} : memref<16x16xf32, #tpu.memory_space<vmem>>, vector<1x16xf32>,
    %get3A_76 = vector.shape_cast %get3A_75 : vector<1x16xf32> to vector<16xf32>
    %ge3A_77 = arith.cmpf oge, %get3A_33, %get3A_76 : vector<16xf32>
    %select_n3A_78 = arith.select %ge3A_77, %broadcast_in_dim3A_3, %broadcast_in_dim3A_5 : vector<16xi1>, vector<16xf32>
    %add3A_79 = arith.addf %scan3A_27#5, %select_n3A_78 : vector<16xf32>
    %get3A_80 = arith.constant 7 : i32
    %get3A_81 = arith.index_cast %get3A_80 : i32 to index
    %get3A_82 = arith.constant 0 : index
    %get3A_83 = tpu.vector_load %arg6[%get3A_81, %get3A_82] {strides = array<i32>} : memref<16x16xf32, #tpu.memory_space<vmem>>, vector<1x16xf32>,
    %get3A_84 = vector.shape_cast %get3A_83 : vector<1x16xf32> to vector<16xf32>
    %ge3A_85 = arith.cmpf oge, %get3A_33, %get3A_84 : vector<16xf32>
    %select_n3A_86 = arith.select %ge3A_85, %broadcast_in_dim3A_3, %broadcast_in_dim3A_5 : vector<16xi1>, vector<16xf32>
    %add3A_87 = arith.addf %scan3A_27#6, %select_n3A_86 : vector<16xf32>
    %get3A_88 = arith.constant 8 : i32
    %get3A_89 = arith.index_cast %get3A_88 : i32 to index
    %get3A_90 = arith.constant 0 : index
    %get3A_91 = tpu.vector_load %arg6[%get3A_89, %get3A_90] {strides = array<i32>} : memref<16x16xf32, #tpu.memory_space<vmem>>, vector<1x16xf32>,
    %get3A_92 = vector.shape_cast %get3A_91 : vector<1x16xf32> to vector<16xf32>
    %ge3A_93 = arith.cmpf oge, %get3A_33, %get3A_92 : vector<16xf32>
    %select_n3A_94 = arith.select %ge3A_93, %broadcast_in_dim3A_3, %broadcast_in_dim3A_5 : vector<16xi1>, vector<16xf32>
    %add3A_95 = arith.addf %scan3A_27#7, %select_n3A_94 : vector<16xf32>
    %get3A_96 = arith.constant 9 : i32
    %get3A_97 = arith.index_cast %get3A_96 : i32 to index
    %get3A_98 = arith.constant 0 : index
    %get3A_99 = tpu.vector_load %arg6[%get3A_97, %get3A_98] {strides = array<i32>} : memref<16x16xf32, #tpu.memory_space<vmem>>, vector<1x16xf32>,
    %get3A_100 = vector.shape_cast %get3A_99 : vector<1x16xf32> to vector<16xf32>
    %ge3A_101 = arith.cmpf oge, %get3A_33, %get3A_100 : vector<16xf32>
    %select_n3A_102 = arith.select %ge3A_101, %broadcast_in_dim3A_3, %broadcast_in_dim3A_5 : vector<16xi1>, vector<16xf32>
    %add3A_103 = arith.addf %scan3A_27#8, %select_n3A_102 : vector<16xf32>
    %scan3A_104 = arith.constant 193 : i32
    %scan3A_105 = arith.addi %scan3A, %scan3A_104 : i32
    %mul3A_106 = arith.constant 16 : i32
    %mul3A_107 = arith.muli %scan3A_105, %mul3A_106 : i32
    %get3A_108 = arith.index_cast %mul3A_107 : i32 to index
    %get3A_109 = tpu.vector_load %arg5[%get3A_108] {strides = array<i32>} : memref<3136xf32, #tpu.memory_space<vmem>>, vector<16xf32>,
    %get3A_110 = vector.shape_cast %get3A_109 : vector<16xf32> to vector<16xf32>
    %get3A_111 = arith.constant 1 : i32
    %get3A_112 = arith.index_cast %get3A_111 : i32 to index
    %get3A_113 = arith.constant 0 : index
    %get3A_114 = tpu.vector_load %arg6[%get3A_112, %get3A_113] {strides = array<i32>} : memref<16x16xf32, #tpu.memory_space<vmem>>, vector<1x16xf32>,
    %get3A_115 = vector.shape_cast %get3A_114 : vector<1x16xf32> to vector<16xf32>
    %ge3A_116 = arith.cmpf oge, %get3A_110, %get3A_115 : vector<16xf32>
    %select_n3A_117 = arith.select %ge3A_116, %broadcast_in_dim3A_3, %broadcast_in_dim3A_5 : vector<16xi1>, vector<16xf32>
    %add3A_118 = arith.addf %add3A_39, %select_n3A_117 : vector<16xf32>
    %get3A_119 = arith.constant 2 : i32
    %get3A_120 = arith.index_cast %get3A_119 : i32 to index
    %get3A_121 = arith.constant 0 : index
    %get3A_122 = tpu.vector_load %arg6[%get3A_120, %get3A_121] {strides = array<i32>} : memref<16x16xf32, #tpu.memory_space<vmem>>, vector<1x16xf32>,
    %get3A_123 = vector.shape_cast %get3A_122 : vector<1x16xf32> to vector<16xf32>
    %ge3A_124 = arith.cmpf oge, %get3A_110, %get3A_123 : vector<16xf32>
    %select_n3A_125 = arith.select %ge3A_124, %broadcast_in_dim3A_3, %broadcast_in_dim3A_5 : vector<16xi1>, vector<16xf32>
    %add3A_126 = arith.addf %add3A_47, %select_n3A_125 : vector<16xf32>
    %get3A_127 = arith.constant 3 : i32
    %get3A_128 = arith.index_cast %get3A_127 : i32 to index
    %get3A_129 = arith.constant 0 : index
    %get3A_130 = tpu.vector_load %arg6[%get3A_128, %get3A_129] {strides = array<i32>} : memref<16x16xf32, #tpu.memory_space<vmem>>, vector<1x16xf32>,
    %get3A_131 = vector.shape_cast %get3A_130 : vector<1x16xf32> to vector<16xf32>
    %ge3A_132 = arith.cmpf oge, %get3A_110, %get3A_131 : vector<16xf32>
    %select_n3A_133 = arith.select %ge3A_132, %broadcast_in_dim3A_3, %broadcast_in_dim3A_5 : vector<16xi1>, vector<16xf32>
    %add3A_134 = arith.addf %add3A_55, %select_n3A_133 : vector<16xf32>
    %get3A_135 = arith.constant 4 : i32
    %get3A_136 = arith.index_cast %get3A_135 : i32 to index
    %get3A_137 = arith.constant 0 : index
    %get3A_138 = tpu.vector_load %arg6[%get3A_136, %get3A_137] {strides = array<i32>} : memref<16x16xf32, #tpu.memory_space<vmem>>, vector<1x16xf32>,
    %get3A_139 = vector.shape_cast %get3A_138 : vector<1x16xf32> to vector<16xf32>
    %ge3A_140 = arith.cmpf oge, %get3A_110, %get3A_139 : vector<16xf32>
    %select_n3A_141 = arith.select %ge3A_140, %broadcast_in_dim3A_3, %broadcast_in_dim3A_5 : vector<16xi1>, vector<16xf32>
    %add3A_142 = arith.addf %add3A_63, %select_n3A_141 : vector<16xf32>
    %get3A_143 = arith.constant 5 : i32
    %get3A_144 = arith.index_cast %get3A_143 : i32 to index
    %get3A_145 = arith.constant 0 : index
    %get3A_146 = tpu.vector_load %arg6[%get3A_144, %get3A_145] {strides = array<i32>} : memref<16x16xf32, #tpu.memory_space<vmem>>, vector<1x16xf32>,
    %get3A_147 = vector.shape_cast %get3A_146 : vector<1x16xf32> to vector<16xf32>
    %ge3A_148 = arith.cmpf oge, %get3A_110, %get3A_147 : vector<16xf32>
    %select_n3A_149 = arith.select %ge3A_148, %broadcast_in_dim3A_3, %broadcast_in_dim3A_5 : vector<16xi1>, vector<16xf32>
    %add3A_150 = arith.addf %add3A_71, %select_n3A_149 : vector<16xf32>
    %get3A_151 = arith.constant 6 : i32
    %get3A_152 = arith.index_cast %get3A_151 : i32 to index
    %get3A_153 = arith.constant 0 : index
    %get3A_154 = tpu.vector_load %arg6[%get3A_152, %get3A_153] {strides = array<i32>} : memref<16x16xf32, #tpu.memory_space<vmem>>, vector<1x16xf32>,
    %get3A_155 = vector.shape_cast %get3A_154 : vector<1x16xf32> to vector<16xf32>
    %ge3A_156 = arith.cmpf oge, %get3A_110, %get3A_155 : vector<16xf32>
    %select_n3A_157 = arith.select %ge3A_156, %broadcast_in_dim3A_3, %broadcast_in_dim3A_5 : vector<16xi1>, vector<16xf32>
    %add3A_158 = arith.addf %add3A_79, %select_n3A_157 : vector<16xf32>
    %get3A_159 = arith.constant 7 : i32
    %get3A_160 = arith.index_cast %get3A_159 : i32 to index
    %get3A_161 = arith.constant 0 : index
    %get3A_162 = tpu.vector_load %arg6[%get3A_160, %get3A_161] {strides = array<i32>} : memref<16x16xf32, #tpu.memory_space<vmem>>, vector<1x16xf32>,
    %get3A_163 = vector.shape_cast %get3A_162 : vector<1x16xf32> to vector<16xf32>
    %ge3A_164 = arith.cmpf oge, %get3A_110, %get3A_163 : vector<16xf32>
    %select_n3A_165 = arith.select %ge3A_164, %broadcast_in_dim3A_3, %broadcast_in_dim3A_5 : vector<16xi1>, vector<16xf32>
    %add3A_166 = arith.addf %add3A_87, %select_n3A_165 : vector<16xf32>
    %get3A_167 = arith.constant 8 : i32
    %get3A_168 = arith.index_cast %get3A_167 : i32 to index
    %get3A_169 = arith.constant 0 : index
    %get3A_170 = tpu.vector_load %arg6[%get3A_168, %get3A_169] {strides = array<i32>} : memref<16x16xf32, #tpu.memory_space<vmem>>, vector<1x16xf32>,
    %get3A_171 = vector.shape_cast %get3A_170 : vector<1x16xf32> to vector<16xf32>
    %ge3A_172 = arith.cmpf oge, %get3A_110, %get3A_171 : vector<16xf32>
    %select_n3A_173 = arith.select %ge3A_172, %broadcast_in_dim3A_3, %broadcast_in_dim3A_5 : vector<16xi1>, vector<16xf32>
    %add3A_174 = arith.addf %add3A_95, %select_n3A_173 : vector<16xf32>
    %get3A_175 = arith.constant 9 : i32
    %get3A_176 = arith.index_cast %get3A_175 : i32 to index
    %get3A_177 = arith.constant 0 : index
    %get3A_178 = tpu.vector_load %arg6[%get3A_176, %get3A_177] {strides = array<i32>} : memref<16x16xf32, #tpu.memory_space<vmem>>, vector<1x16xf32>,
    %get3A_179 = vector.shape_cast %get3A_178 : vector<1x16xf32> to vector<16xf32>
    %ge3A_180 = arith.cmpf oge, %get3A_110, %get3A_179 : vector<16xf32>
    %select_n3A_181 = arith.select %ge3A_180, %broadcast_in_dim3A_3, %broadcast_in_dim3A_5 : vector<16xi1>, vector<16xf32>
    %add3A_182 = arith.addf %add3A_103, %select_n3A_181 : vector<16xf32>
    %scan3A_183 = arith.constant 194 : i32
    %scan3A_184 = arith.addi %scan3A, %scan3A_183 : i32
    %mul3A_185 = arith.constant 16 : i32
    %mul3A_186 = arith.muli %scan3A_184, %mul3A_185 : i32
    %get3A_187 = arith.index_cast %mul3A_186 : i32 to index
    %get3A_188 = tpu.vector_load %arg5[%get3A_187] {strides = array<i32>} : memref<3136xf32, #tpu.memory_space<vmem>>, vector<16xf32>,
    %get3A_189 = vector.shape_cast %get3A_188 : vector<16xf32> to vector<16xf32>
    %get3A_190 = arith.constant 1 : i32
    %get3A_191 = arith.index_cast %get3A_190 : i32 to index
    %get3A_192 = arith.constant 0 : index
    %get3A_193 = tpu.vector_load %arg6[%get3A_191, %get3A_192] {strides = array<i32>} : memref<16x16xf32, #tpu.memory_space<vmem>>, vector<1x16xf32>,
    %get3A_194 = vector.shape_cast %get3A_193 : vector<1x16xf32> to vector<16xf32>
    %ge3A_195 = arith.cmpf oge, %get3A_189, %get3A_194 : vector<16xf32>
    %select_n3A_196 = arith.select %ge3A_195, %broadcast_in_dim3A_3, %broadcast_in_dim3A_5 : vector<16xi1>, vector<16xf32>
    %add3A_197 = arith.addf %add3A_118, %select_n3A_196 : vector<16xf32>
    %get3A_198 = arith.constant 2 : i32
    %get3A_199 = arith.index_cast %get3A_198 : i32 to index
    %get3A_200 = arith.constant 0 : index
    %get3A_201 = tpu.vector_load %arg6[%get3A_199, %get3A_200] {strides = array<i32>} : memref<16x16xf32, #tpu.memory_space<vmem>>, vector<1x16xf32>,
    %get3A_202 = vector.shape_cast %get3A_201 : vector<1x16xf32> to vector<16xf32>
    %ge3A_203 = arith.cmpf oge, %get3A_189, %get3A_202 : vector<16xf32>
    %select_n3A_204 = arith.select %ge3A_203, %broadcast_in_dim3A_3, %broadcast_in_dim3A_5 : vector<16xi1>, vector<16xf32>
    %add3A_205 = arith.addf %add3A_126, %select_n3A_204 : vector<16xf32>
    %get3A_206 = arith.constant 3 : i32
    %get3A_207 = arith.index_cast %get3A_206 : i32 to index
    %get3A_208 = arith.constant 0 : index
    %get3A_209 = tpu.vector_load %arg6[%get3A_207, %get3A_208] {strides = array<i32>} : memref<16x16xf32, #tpu.memory_space<vmem>>, vector<1x16xf32>,
    %get3A_210 = vector.shape_cast %get3A_209 : vector<1x16xf32> to vector<16xf32>
    %ge3A_211 = arith.cmpf oge, %get3A_189, %get3A_210 : vector<16xf32>
    %select_n3A_212 = arith.select %ge3A_211, %broadcast_in_dim3A_3, %broadcast_in_dim3A_5 : vector<16xi1>, vector<16xf32>
    %add3A_213 = arith.addf %add3A_134, %select_n3A_212 : vector<16xf32>
    %get3A_214 = arith.constant 4 : i32
    %get3A_215 = arith.index_cast %get3A_214 : i32 to index
    %get3A_216 = arith.constant 0 : index
    %get3A_217 = tpu.vector_load %arg6[%get3A_215, %get3A_216] {strides = array<i32>} : memref<16x16xf32, #tpu.memory_space<vmem>>, vector<1x16xf32>,
    %get3A_218 = vector.shape_cast %get3A_217 : vector<1x16xf32> to vector<16xf32>
    %ge3A_219 = arith.cmpf oge, %get3A_189, %get3A_218 : vector<16xf32>
    %select_n3A_220 = arith.select %ge3A_219, %broadcast_in_dim3A_3, %broadcast_in_dim3A_5 : vector<16xi1>, vector<16xf32>
    %add3A_221 = arith.addf %add3A_142, %select_n3A_220 : vector<16xf32>
    %get3A_222 = arith.constant 5 : i32
    %get3A_223 = arith.index_cast %get3A_222 : i32 to index
    %get3A_224 = arith.constant 0 : index
    %get3A_225 = tpu.vector_load %arg6[%get3A_223, %get3A_224] {strides = array<i32>} : memref<16x16xf32, #tpu.memory_space<vmem>>, vector<1x16xf32>,
    %get3A_226 = vector.shape_cast %get3A_225 : vector<1x16xf32> to vector<16xf32>
    %ge3A_227 = arith.cmpf oge, %get3A_189, %get3A_226 : vector<16xf32>
    %select_n3A_228 = arith.select %ge3A_227, %broadcast_in_dim3A_3, %broadcast_in_dim3A_5 : vector<16xi1>, vector<16xf32>
    %add3A_229 = arith.addf %add3A_150, %select_n3A_228 : vector<16xf32>
    %get3A_230 = arith.constant 6 : i32
    %get3A_231 = arith.index_cast %get3A_230 : i32 to index
    %get3A_232 = arith.constant 0 : index
    %get3A_233 = tpu.vector_load %arg6[%get3A_231, %get3A_232] {strides = array<i32>} : memref<16x16xf32, #tpu.memory_space<vmem>>, vector<1x16xf32>,
    %get3A_234 = vector.shape_cast %get3A_233 : vector<1x16xf32> to vector<16xf32>
    %ge3A_235 = arith.cmpf oge, %get3A_189, %get3A_234 : vector<16xf32>
    %select_n3A_236 = arith.select %ge3A_235, %broadcast_in_dim3A_3, %broadcast_in_dim3A_5 : vector<16xi1>, vector<16xf32>
    %add3A_237 = arith.addf %add3A_158, %select_n3A_236 : vector<16xf32>
    %get3A_238 = arith.constant 7 : i32
    %get3A_239 = arith.index_cast %get3A_238 : i32 to index
    %get3A_240 = arith.constant 0 : index
    %get3A_241 = tpu.vector_load %arg6[%get3A_239, %get3A_240] {strides = array<i32>} : memref<16x16xf32, #tpu.memory_space<vmem>>, vector<1x16xf32>,
    %get3A_242 = vector.shape_cast %get3A_241 : vector<1x16xf32> to vector<16xf32>
    %ge3A_243 = arith.cmpf oge, %get3A_189, %get3A_242 : vector<16xf32>
    %select_n3A_244 = arith.select %ge3A_243, %broadcast_in_dim3A_3, %broadcast_in_dim3A_5 : vector<16xi1>, vector<16xf32>
    %add3A_245 = arith.addf %add3A_166, %select_n3A_244 : vector<16xf32>
    %get3A_246 = arith.constant 8 : i32
    %get3A_247 = arith.index_cast %get3A_246 : i32 to index
    %get3A_248 = arith.constant 0 : index
    %get3A_249 = tpu.vector_load %arg6[%get3A_247, %get3A_248] {strides = array<i32>} : memref<16x16xf32, #tpu.memory_space<vmem>>, vector<1x16xf32>,
    %get3A_250 = vector.shape_cast %get3A_249 : vector<1x16xf32> to vector<16xf32>
    %ge3A_251 = arith.cmpf oge, %get3A_189, %get3A_250 : vector<16xf32>
    %select_n3A_252 = arith.select %ge3A_251, %broadcast_in_dim3A_3, %broadcast_in_dim3A_5 : vector<16xi1>, vector<16xf32>
    %add3A_253 = arith.addf %add3A_174, %select_n3A_252 : vector<16xf32>
    %get3A_254 = arith.constant 9 : i32
    %get3A_255 = arith.index_cast %get3A_254 : i32 to index
    %get3A_256 = arith.constant 0 : index
    %get3A_257 = tpu.vector_load %arg6[%get3A_255, %get3A_256] {strides = array<i32>} : memref<16x16xf32, #tpu.memory_space<vmem>>, vector<1x16xf32>,
    %get3A_258 = vector.shape_cast %get3A_257 : vector<1x16xf32> to vector<16xf32>
    %ge3A_259 = arith.cmpf oge, %get3A_189, %get3A_258 : vector<16xf32>
    %select_n3A_260 = arith.select %ge3A_259, %broadcast_in_dim3A_3, %broadcast_in_dim3A_5 : vector<16xi1>, vector<16xf32>
    %add3A_261 = arith.addf %add3A_182, %select_n3A_260 : vector<16xf32>
    %scan3A_262 = arith.constant 195 : i32
    %scan3A_263 = arith.addi %scan3A, %scan3A_262 : i32
    %mul3A_264 = arith.constant 16 : i32
    %mul3A_265 = arith.muli %scan3A_263, %mul3A_264 : i32
    %get3A_266 = arith.index_cast %mul3A_265 : i32 to index
    %get3A_267 = tpu.vector_load %arg5[%get3A_266] {strides = array<i32>} : memref<3136xf32, #tpu.memory_space<vmem>>, vector<16xf32>,
    %get3A_268 = vector.shape_cast %get3A_267 : vector<16xf32> to vector<16xf32>
    %get3A_269 = arith.constant 1 : i32
    %get3A_270 = arith.index_cast %get3A_269 : i32 to index
    %get3A_271 = arith.constant 0 : index
    %get3A_272 = tpu.vector_load %arg6[%get3A_270, %get3A_271] {strides = array<i32>} : memref<16x16xf32, #tpu.memory_space<vmem>>, vector<1x16xf32>,
    %get3A_273 = vector.shape_cast %get3A_272 : vector<1x16xf32> to vector<16xf32>
    %ge3A_274 = arith.cmpf oge, %get3A_268, %get3A_273 : vector<16xf32>
    %select_n3A_275 = arith.select %ge3A_274, %broadcast_in_dim3A_3, %broadcast_in_dim3A_5 : vector<16xi1>, vector<16xf32>
    %add3A_276 = arith.addf %add3A_197, %select_n3A_275 : vector<16xf32>
    %get3A_277 = arith.constant 2 : i32
    %get3A_278 = arith.index_cast %get3A_277 : i32 to index
    %get3A_279 = arith.constant 0 : index
    %get3A_280 = tpu.vector_load %arg6[%get3A_278, %get3A_279] {strides = array<i32>} : memref<16x16xf32, #tpu.memory_space<vmem>>, vector<1x16xf32>,
    %get3A_281 = vector.shape_cast %get3A_280 : vector<1x16xf32> to vector<16xf32>
    %ge3A_282 = arith.cmpf oge, %get3A_268, %get3A_281 : vector<16xf32>
    %select_n3A_283 = arith.select %ge3A_282, %broadcast_in_dim3A_3, %broadcast_in_dim3A_5 : vector<16xi1>, vector<16xf32>
    %add3A_284 = arith.addf %add3A_205, %select_n3A_283 : vector<16xf32>
    %get3A_285 = arith.constant 3 : i32
    %get3A_286 = arith.index_cast %get3A_285 : i32 to index
    %get3A_287 = arith.constant 0 : index
    %get3A_288 = tpu.vector_load %arg6[%get3A_286, %get3A_287] {strides = array<i32>} : memref<16x16xf32, #tpu.memory_space<vmem>>, vector<1x16xf32>,
    %get3A_289 = vector.shape_cast %get3A_288 : vector<1x16xf32> to vector<16xf32>
    %ge3A_290 = arith.cmpf oge, %get3A_268, %get3A_289 : vector<16xf32>
    %select_n3A_291 = arith.select %ge3A_290, %broadcast_in_dim3A_3, %broadcast_in_dim3A_5 : vector<16xi1>, vector<16xf32>
    %add3A_292 = arith.addf %add3A_213, %select_n3A_291 : vector<16xf32>
    %get3A_293 = arith.constant 4 : i32
    %get3A_294 = arith.index_cast %get3A_293 : i32 to index
    %get3A_295 = arith.constant 0 : index
    %get3A_296 = tpu.vector_load %arg6[%get3A_294, %get3A_295] {strides = array<i32>} : memref<16x16xf32, #tpu.memory_space<vmem>>, vector<1x16xf32>,
    %get3A_297 = vector.shape_cast %get3A_296 : vector<1x16xf32> to vector<16xf32>
    %ge3A_298 = arith.cmpf oge, %get3A_268, %get3A_297 : vector<16xf32>
    %select_n3A_299 = arith.select %ge3A_298, %broadcast_in_dim3A_3, %broadcast_in_dim3A_5 : vector<16xi1>, vector<16xf32>
    %add3A_300 = arith.addf %add3A_221, %select_n3A_299 : vector<16xf32>
    %get3A_301 = arith.constant 5 : i32
    %get3A_302 = arith.index_cast %get3A_301 : i32 to index
    %get3A_303 = arith.constant 0 : index
    %get3A_304 = tpu.vector_load %arg6[%get3A_302, %get3A_303] {strides = array<i32>} : memref<16x16xf32, #tpu.memory_space<vmem>>, vector<1x16xf32>,
    %get3A_305 = vector.shape_cast %get3A_304 : vector<1x16xf32> to vector<16xf32>
    %ge3A_306 = arith.cmpf oge, %get3A_268, %get3A_305 : vector<16xf32>
    %select_n3A_307 = arith.select %ge3A_306, %broadcast_in_dim3A_3, %broadcast_in_dim3A_5 : vector<16xi1>, vector<16xf32>
    %add3A_308 = arith.addf %add3A_229, %select_n3A_307 : vector<16xf32>
    %get3A_309 = arith.constant 6 : i32
    %get3A_310 = arith.index_cast %get3A_309 : i32 to index
    %get3A_311 = arith.constant 0 : index
    %get3A_312 = tpu.vector_load %arg6[%get3A_310, %get3A_311] {strides = array<i32>} : memref<16x16xf32, #tpu.memory_space<vmem>>, vector<1x16xf32>,
    %get3A_313 = vector.shape_cast %get3A_312 : vector<1x16xf32> to vector<16xf32>
    %ge3A_314 = arith.cmpf oge, %get3A_268, %get3A_313 : vector<16xf32>
    %select_n3A_315 = arith.select %ge3A_314, %broadcast_in_dim3A_3, %broadcast_in_dim3A_5 : vector<16xi1>, vector<16xf32>
    %add3A_316 = arith.addf %add3A_237, %select_n3A_315 : vector<16xf32>
    %get3A_317 = arith.constant 7 : i32
    %get3A_318 = arith.index_cast %get3A_317 : i32 to index
    %get3A_319 = arith.constant 0 : index
    %get3A_320 = tpu.vector_load %arg6[%get3A_318, %get3A_319] {strides = array<i32>} : memref<16x16xf32, #tpu.memory_space<vmem>>, vector<1x16xf32>,
    %get3A_321 = vector.shape_cast %get3A_320 : vector<1x16xf32> to vector<16xf32>
    %ge3A_322 = arith.cmpf oge, %get3A_268, %get3A_321 : vector<16xf32>
    %select_n3A_323 = arith.select %ge3A_322, %broadcast_in_dim3A_3, %broadcast_in_dim3A_5 : vector<16xi1>, vector<16xf32>
    %add3A_324 = arith.addf %add3A_245, %select_n3A_323 : vector<16xf32>
    %get3A_325 = arith.constant 8 : i32
    %get3A_326 = arith.index_cast %get3A_325 : i32 to index
    %get3A_327 = arith.constant 0 : index
    %get3A_328 = tpu.vector_load %arg6[%get3A_326, %get3A_327] {strides = array<i32>} : memref<16x16xf32, #tpu.memory_space<vmem>>, vector<1x16xf32>,
    %get3A_329 = vector.shape_cast %get3A_328 : vector<1x16xf32> to vector<16xf32>
    %ge3A_330 = arith.cmpf oge, %get3A_268, %get3A_329 : vector<16xf32>
    %select_n3A_331 = arith.select %ge3A_330, %broadcast_in_dim3A_3, %broadcast_in_dim3A_5 : vector<16xi1>, vector<16xf32>
    %add3A_332 = arith.addf %add3A_253, %select_n3A_331 : vector<16xf32>
    %get3A_333 = arith.constant 9 : i32
    %get3A_334 = arith.index_cast %get3A_333 : i32 to index
    %get3A_335 = arith.constant 0 : index
    %get3A_336 = tpu.vector_load %arg6[%get3A_334, %get3A_335] {strides = array<i32>} : memref<16x16xf32, #tpu.memory_space<vmem>>, vector<1x16xf32>,
    %get3A_337 = vector.shape_cast %get3A_336 : vector<1x16xf32> to vector<16xf32>
    %ge3A_338 = arith.cmpf oge, %get3A_268, %get3A_337 : vector<16xf32>
    %select_n3A_339 = arith.select %ge3A_338, %broadcast_in_dim3A_3, %broadcast_in_dim3A_5 : vector<16xi1>, vector<16xf32>
    %add3A_340 = arith.addf %add3A_261, %select_n3A_339 : vector<16xf32>
    %scan3A_341 = arith.constant 196 : i32
    %sub3A = arith.constant 1.960000e+02 : f32
    %sub3A_342 = vector.broadcast %sub3A : f32 to vector<16xf32>
    %sub3A_343 = arith.subf %sub3A_342, %add3A_276 : vector<16xf32>
    %swap3A = arith.constant 0 : i32
    %swap3A_344 = arith.index_cast %swap3A : i32 to index
    %swap3A_345 = arith.constant 0 : index
    %swap3A_346 = tpu.vector_load %arg7[%swap3A_344, %swap3A_345] {strides = array<i32>} : memref<10x16xf32, #tpu.memory_space<vmem>>, vector<1x16xf32>,
    %swap3A_347 = vector.shape_cast %swap3A_346 : vector<1x16xf32> to vector<16xf32>
    %swap3A_348 = vector.shape_cast %sub3A_343 : vector<16xf32> to vector<1x16xf32>
    tpu.vector_store %arg7[%swap3A_344, %swap3A_345], %swap3A_348 {strides = array<i32>} : memref<10x16xf32, #tpu.memory_space<vmem>>, vector<1x16xf32>,
    %sub3A_349 = arith.subf %add3A_276, %add3A_284 : vector<16xf32>
    %swap3A_350 = arith.constant 1 : i32
    %swap3A_351 = arith.index_cast %swap3A_350 : i32 to index
    %swap3A_352 = arith.constant 0 : index
    %swap3A_353 = tpu.vector_load %arg7[%swap3A_351, %swap3A_352] {strides = array<i32>} : memref<10x16xf32, #tpu.memory_space<vmem>>, vector<1x16xf32>,
    %swap3A_354 = vector.shape_cast %swap3A_353 : vector<1x16xf32> to vector<16xf32>
    %swap3A_355 = vector.shape_cast %sub3A_349 : vector<16xf32> to vector<1x16xf32>
    tpu.vector_store %arg7[%swap3A_351, %swap3A_352], %swap3A_355 {strides = array<i32>} : memref<10x16xf32, #tpu.memory_space<vmem>>, vector<1x16xf32>,
    %sub3A_356 = arith.subf %add3A_284, %add3A_292 : vector<16xf32>
    %swap3A_357 = arith.constant 2 : i32
    %swap3A_358 = arith.index_cast %swap3A_357 : i32 to index
    %swap3A_359 = arith.constant 0 : index
    %swap3A_360 = tpu.vector_load %arg7[%swap3A_358, %swap3A_359] {strides = array<i32>} : memref<10x16xf32, #tpu.memory_space<vmem>>, vector<1x16xf32>,
    %swap3A_361 = vector.shape_cast %swap3A_360 : vector<1x16xf32> to vector<16xf32>
    %swap3A_362 = vector.shape_cast %sub3A_356 : vector<16xf32> to vector<1x16xf32>
    tpu.vector_store %arg7[%swap3A_358, %swap3A_359], %swap3A_362 {strides = array<i32>} : memref<10x16xf32, #tpu.memory_space<vmem>>, vector<1x16xf32>,
    %sub3A_363 = arith.subf %add3A_292, %add3A_300 : vector<16xf32>
    %swap3A_364 = arith.constant 3 : i32
    %swap3A_365 = arith.index_cast %swap3A_364 : i32 to index
    %swap3A_366 = arith.constant 0 : index
    %swap3A_367 = tpu.vector_load %arg7[%swap3A_365, %swap3A_366] {strides = array<i32>} : memref<10x16xf32, #tpu.memory_space<vmem>>, vector<1x16xf32>,
    %swap3A_368 = vector.shape_cast %swap3A_367 : vector<1x16xf32> to vector<16xf32>
    %swap3A_369 = vector.shape_cast %sub3A_363 : vector<16xf32> to vector<1x16xf32>
    tpu.vector_store %arg7[%swap3A_365, %swap3A_366], %swap3A_369 {strides = array<i32>} : memref<10x16xf32, #tpu.memory_space<vmem>>, vector<1x16xf32>,
    %sub3A_370 = arith.subf %add3A_300, %add3A_308 : vector<16xf32>
    %swap3A_371 = arith.constant 4 : i32
    %swap3A_372 = arith.index_cast %swap3A_371 : i32 to index
    %swap3A_373 = arith.constant 0 : index
    %swap3A_374 = tpu.vector_load %arg7[%swap3A_372, %swap3A_373] {strides = array<i32>} : memref<10x16xf32, #tpu.memory_space<vmem>>, vector<1x16xf32>,
    %swap3A_375 = vector.shape_cast %swap3A_374 : vector<1x16xf32> to vector<16xf32>
    %swap3A_376 = vector.shape_cast %sub3A_370 : vector<16xf32> to vector<1x16xf32>
    tpu.vector_store %arg7[%swap3A_372, %swap3A_373], %swap3A_376 {strides = array<i32>} : memref<10x16xf32, #tpu.memory_space<vmem>>, vector<1x16xf32>,
    %sub3A_377 = arith.subf %add3A_308, %add3A_316 : vector<16xf32>
    %swap3A_378 = arith.constant 5 : i32
    %swap3A_379 = arith.index_cast %swap3A_378 : i32 to index
    %swap3A_380 = arith.constant 0 : index
    %swap3A_381 = tpu.vector_load %arg7[%swap3A_379, %swap3A_380] {strides = array<i32>} : memref<10x16xf32, #tpu.memory_space<vmem>>, vector<1x16xf32>,
    %swap3A_382 = vector.shape_cast %swap3A_381 : vector<1x16xf32> to vector<16xf32>
    %swap3A_383 = vector.shape_cast %sub3A_377 : vector<16xf32> to vector<1x16xf32>
    tpu.vector_store %arg7[%swap3A_379, %swap3A_380], %swap3A_383 {strides = array<i32>} : memref<10x16xf32, #tpu.memory_space<vmem>>, vector<1x16xf32>,
    %sub3A_384 = arith.subf %add3A_316, %add3A_324 : vector<16xf32>
    %swap3A_385 = arith.constant 6 : i32
    %swap3A_386 = arith.index_cast %swap3A_385 : i32 to index
    %swap3A_387 = arith.constant 0 : index
    %swap3A_388 = tpu.vector_load %arg7[%swap3A_386, %swap3A_387] {strides = array<i32>} : memref<10x16xf32, #tpu.memory_space<vmem>>, vector<1x16xf32>,
    %swap3A_389 = vector.shape_cast %swap3A_388 : vector<1x16xf32> to vector<16xf32>
    %swap3A_390 = vector.shape_cast %sub3A_384 : vector<16xf32> to vector<1x16xf32>
    tpu.vector_store %arg7[%swap3A_386, %swap3A_387], %swap3A_390 {strides = array<i32>} : memref<10x16xf32, #tpu.memory_space<vmem>>, vector<1x16xf32>,
    %sub3A_391 = arith.subf %add3A_324, %add3A_332 : vector<16xf32>
    %swap3A_392 = arith.constant 7 : i32
    %swap3A_393 = arith.index_cast %swap3A_392 : i32 to index
    %swap3A_394 = arith.constant 0 : index
    %swap3A_395 = tpu.vector_load %arg7[%swap3A_393, %swap3A_394] {strides = array<i32>} : memref<10x16xf32, #tpu.memory_space<vmem>>, vector<1x16xf32>,
    %swap3A_396 = vector.shape_cast %swap3A_395 : vector<1x16xf32> to vector<16xf32>
    %swap3A_397 = vector.shape_cast %sub3A_391 : vector<16xf32> to vector<1x16xf32>
    tpu.vector_store %arg7[%swap3A_393, %swap3A_394], %swap3A_397 {strides = array<i32>} : memref<10x16xf32, #tpu.memory_space<vmem>>, vector<1x16xf32>,
    %sub3A_398 = arith.subf %add3A_332, %add3A_340 : vector<16xf32>
    %swap3A_399 = arith.constant 8 : i32
    %swap3A_400 = arith.index_cast %swap3A_399 : i32 to index
    %swap3A_401 = arith.constant 0 : index
    %swap3A_402 = tpu.vector_load %arg7[%swap3A_400, %swap3A_401] {strides = array<i32>} : memref<10x16xf32, #tpu.memory_space<vmem>>, vector<1x16xf32>,
    %swap3A_403 = vector.shape_cast %swap3A_402 : vector<1x16xf32> to vector<16xf32>
    %swap3A_404 = vector.shape_cast %sub3A_398 : vector<16xf32> to vector<1x16xf32>
    tpu.vector_store %arg7[%swap3A_400, %swap3A_401], %swap3A_404 {strides = array<i32>} : memref<10x16xf32, #tpu.memory_space<vmem>>, vector<1x16xf32>,
    %swap3A_405 = arith.constant 9 : i32
    %swap3A_406 = arith.index_cast %swap3A_405 : i32 to index
    %swap3A_407 = arith.constant 0 : index
    %swap3A_408 = tpu.vector_load %arg7[%swap3A_406, %swap3A_407] {strides = array<i32>} : memref<10x16xf32, #tpu.memory_space<vmem>>, vector<1x16xf32>,
    %swap3A_409 = vector.shape_cast %swap3A_408 : vector<1x16xf32> to vector<16xf32>
    %swap3A_410 = vector.shape_cast %add3A_340 : vector<16xf32> to vector<1x16xf32>
    tpu.vector_store %arg7[%swap3A_406, %swap3A_407], %swap3A_410 {strides = array<i32>} : memref<10x16xf32, #tpu.memory_space<vmem>>, vector<1x16xf32>,
    "tpu.region"() ({
      %run_scoped3A = tpu.sem_alloc : memref<!tpu.dma_semaphore, #tpu.memory_space<semaphore_mem>>
      %dma_start3A = arith.constant 0 : i32
      %dma_start3A_411 = arith.constant 0 : i32
      %dma_start3A_412 = tpu.memref_slice %arg4[%add3A, %dma_start3A, %dma_start3A_411] : memref<32x10x16xf32, #tpu.memory_space<hbm>> -> memref<1x10x16xf32, #tpu.memory_space<hbm>>
      %dma_start3A_413 = tpu.memref_squeeze %dma_start3A_412 : memref<1x10x16xf32, #tpu.memory_space<hbm>> -> memref<10x16xf32, #tpu.memory_space<hbm>>
      %dma_start3A_414 = arith.constant 0 : i32
      %dma_start3A_415 = arith.constant 0 : i32
      %dma_start3A_416 = tpu.memref_slice %arg4[%add3A, %dma_start3A_414, %dma_start3A_415] : memref<32x10x16xf32, #tpu.memory_space<hbm>> -> memref<1x10x16xf32, #tpu.memory_space<hbm>>
      %dma_start3A_417 = tpu.memref_squeeze %dma_start3A_416 : memref<1x10x16xf32, #tpu.memory_space<hbm>> -> memref<10x16xf32, #tpu.memory_space<hbm>>
      tpu.enqueue_dma source(%arg7 : memref<10x16xf32, #tpu.memory_space<vmem>>) target(%dma_start3A_417 : memref<10x16xf32, #tpu.memory_space<hbm>>) target_semaphore(%run_scoped3A : memref<!tpu.dma_semaphore, #tpu.memory_space<semaphore_mem>>)
      %dma_wait3A = arith.constant 0 : i32
      %dma_wait3A_418 = arith.constant 0 : i32
      %dma_wait3A_419 = tpu.memref_slice %arg4[%add3A, %dma_wait3A, %dma_wait3A_418] : memref<32x10x16xf32, #tpu.memory_space<hbm>> -> memref<1x10x16xf32, #tpu.memory_space<hbm>>
      %dma_wait3A_420 = tpu.memref_squeeze %dma_wait3A_419 : memref<1x10x16xf32, #tpu.memory_space<hbm>> -> memref<10x16xf32, #tpu.memory_space<hbm>>
      %dma_wait3A_421 = arith.constant 0 : i32
      %dma_wait3A_422 = arith.constant 0 : i32
      %dma_wait3A_423 = tpu.memref_slice %arg4[%add3A, %dma_wait3A_421, %dma_wait3A_422] : memref<32x10x16xf32, #tpu.memory_space<hbm>> -> memref<1x10x16xf32, #tpu.memory_space<hbm>>
      %dma_wait3A_424 = tpu.memref_squeeze %dma_wait3A_423 : memref<1x10x16xf32, #tpu.memory_space<hbm>> -> memref<10x16xf32, #tpu.memory_space<hbm>>
      tpu.wait_dma2 semaphore(%run_scoped3A : memref<!tpu.dma_semaphore, #tpu.memory_space<semaphore_mem>>) src(%arg7 : memref<10x16xf32, #tpu.memory_space<vmem>>) dst(%dma_wait3A_424 : memref<10x16xf32, #tpu.memory_space<hbm>>)
      tpu.yield
    }) : () -> ()
    return
  }
}

module attributes {stable_mosaic.version = 14 : i64} {
  func.func @_c1_body(%arg0: memref<2x224x224xf32, #tpu.memory_space<vmem>>, %arg1: memref<224x56xf32, #tpu.memory_space<vmem>>, %arg2: memref<56x224xf32, #tpu.memory_space<vmem>>, %arg3: memref<224x28xf32, #tpu.memory_space<vmem>>, %arg4: memref<28x224xf32, #tpu.memory_space<vmem>>, %arg5: memref<224x14xf32, #tpu.memory_space<vmem>>, %arg6: memref<14x224xf32, #tpu.memory_space<vmem>>, %arg7: memref<2x56x560xf32, #tpu.memory_space<vmem>>, %arg8: memref<2x28x280xf32, #tpu.memory_space<vmem>>, %arg9: memref<2x14x140xf32, #tpu.memory_space<vmem>>, %arg10: memref<16x128xf32, #tpu.memory_space<vmem>>) attributes {dimension_semantics = [], scalar_prefetch = 0 : i64, scratch_operands = 0 : i64, tpu.core_type = #tpu.core_type<tc>} {
    %get3A = arith.constant 0 : index
    %get3A_0 = arith.constant 0 : index
    %get3A_1 = arith.constant 0 : index
    %get3A_2 = vector.load %arg0[%get3A, %get3A_0, %get3A_1] : memref<2x224x224xf32, #tpu.memory_space<vmem>>, vector<2x224x224xf32>
    %reduce_min3A = vector.shape_cast %get3A_2 : vector<2x224x224xf32> to vector<1x2x224x224xf32>
    %reduce_min3A_3 = arith.constant dense<0x7F800000> : vector<1xf32>
    %reduce_min3A_4 = vector.multi_reduction <minimumf>, %reduce_min3A, %reduce_min3A_3 [1, 2, 3] : vector<1x2x224x224xf32> to vector<1xf32>
    %reduce_min3A_5 = vector.shape_cast %reduce_min3A_4 : vector<1xf32> to vector<1x1x1x1xf32>
    %reduce_min3A_6 = vector.extract %reduce_min3A_5[0, 0, 0, 0] : f32 from vector<1x1x1x1xf32>
    %reduce_max3A = vector.shape_cast %get3A_2 : vector<2x224x224xf32> to vector<1x2x224x224xf32>
    %reduce_max3A_7 = arith.constant dense<0xFF800000> : vector<1xf32>
    %reduce_max3A_8 = vector.multi_reduction <maximumf>, %reduce_max3A, %reduce_max3A_7 [1, 2, 3] : vector<1x2x224x224xf32> to vector<1xf32>
    %reduce_max3A_9 = vector.shape_cast %reduce_max3A_8 : vector<1xf32> to vector<1x1x1x1xf32>
    %reduce_max3A_10 = vector.extract %reduce_max3A_9[0, 0, 0, 0] : f32 from vector<1x1x1x1xf32>
    %sub3A = arith.subf %reduce_max3A_10, %reduce_min3A_6 : f32
    %div3A = arith.constant 1.000000e+01 : f32
    %div3A_11 = arith.divf %sub3A, %div3A : f32
    %iota3A = tpu.iota {dimensions = array<i32: 0>} : vector<16x128xi32>
    %convert_element_type3A = arith.sitofp %iota3A : vector<16x128xi32> to vector<16x128xf32>
    %mul3A = vector.broadcast %div3A_11 : f32 to vector<16x128xf32>
    %mul3A_12 = arith.mulf %mul3A, %convert_element_type3A : vector<16x128xf32>
    %add3A = vector.broadcast %reduce_min3A_6 : f32 to vector<16x128xf32>
    %add3A_13 = arith.addf %add3A, %mul3A_12 : vector<16x128xf32>
    %swap3A = arith.constant 0 : index
    %swap3A_14 = arith.constant 0 : index
    %swap3A_15 = vector.load %arg10[%swap3A, %swap3A_14] : memref<16x128xf32, #tpu.memory_space<vmem>>, vector<16x128xf32>
    tpu.vector_store %arg10[%swap3A, %swap3A_14], %add3A_13 {strides = array<i32>} : memref<16x128xf32, #tpu.memory_space<vmem>>, vector<16x128xf32>,
    %broadcast_in_dim3A = arith.constant 0 : i32
    %broadcast_in_dim3A_16 = vector.broadcast %broadcast_in_dim3A : i32 to vector<2x224x224xi32>
    %mul3A_17 = arith.constant 1.000000e+00 : f32
    %mul3A_18 = arith.mulf %div3A_11, %mul3A_17 : f32
    %add3A_19 = arith.addf %reduce_min3A_6, %mul3A_18 : f32
    %ge3A = vector.broadcast %add3A_19 : f32 to vector<2x224x224xf32>
    %ge3A_20 = arith.cmpf oge, %get3A_2, %ge3A : vector<2x224x224xf32>
    %convert_element_type3A_21 = arith.extui %ge3A_20 : vector<2x224x224xi1> to vector<2x224x224xi32>
    %add3A_22 = arith.addi %broadcast_in_dim3A_16, %convert_element_type3A_21 : vector<2x224x224xi32>
    %mul3A_23 = arith.constant 2.000000e+00 : f32
    %mul3A_24 = arith.mulf %div3A_11, %mul3A_23 : f32
    %add3A_25 = arith.addf %reduce_min3A_6, %mul3A_24 : f32
    %ge3A_26 = vector.broadcast %add3A_25 : f32 to vector<2x224x224xf32>
    %ge3A_27 = arith.cmpf oge, %get3A_2, %ge3A_26 : vector<2x224x224xf32>
    %convert_element_type3A_28 = arith.extui %ge3A_27 : vector<2x224x224xi1> to vector<2x224x224xi32>
    %add3A_29 = arith.addi %add3A_22, %convert_element_type3A_28 : vector<2x224x224xi32>
    %mul3A_30 = arith.constant 3.000000e+00 : f32
    %mul3A_31 = arith.mulf %div3A_11, %mul3A_30 : f32
    %add3A_32 = arith.addf %reduce_min3A_6, %mul3A_31 : f32
    %ge3A_33 = vector.broadcast %add3A_32 : f32 to vector<2x224x224xf32>
    %ge3A_34 = arith.cmpf oge, %get3A_2, %ge3A_33 : vector<2x224x224xf32>
    %convert_element_type3A_35 = arith.extui %ge3A_34 : vector<2x224x224xi1> to vector<2x224x224xi32>
    %add3A_36 = arith.addi %add3A_29, %convert_element_type3A_35 : vector<2x224x224xi32>
    %mul3A_37 = arith.constant 4.000000e+00 : f32
    %mul3A_38 = arith.mulf %div3A_11, %mul3A_37 : f32
    %add3A_39 = arith.addf %reduce_min3A_6, %mul3A_38 : f32
    %ge3A_40 = vector.broadcast %add3A_39 : f32 to vector<2x224x224xf32>
    %ge3A_41 = arith.cmpf oge, %get3A_2, %ge3A_40 : vector<2x224x224xf32>
    %convert_element_type3A_42 = arith.extui %ge3A_41 : vector<2x224x224xi1> to vector<2x224x224xi32>
    %add3A_43 = arith.addi %add3A_36, %convert_element_type3A_42 : vector<2x224x224xi32>
    %mul3A_44 = arith.constant 5.000000e+00 : f32
    %mul3A_45 = arith.mulf %div3A_11, %mul3A_44 : f32
    %add3A_46 = arith.addf %reduce_min3A_6, %mul3A_45 : f32
    %ge3A_47 = vector.broadcast %add3A_46 : f32 to vector<2x224x224xf32>
    %ge3A_48 = arith.cmpf oge, %get3A_2, %ge3A_47 : vector<2x224x224xf32>
    %convert_element_type3A_49 = arith.extui %ge3A_48 : vector<2x224x224xi1> to vector<2x224x224xi32>
    %add3A_50 = arith.addi %add3A_43, %convert_element_type3A_49 : vector<2x224x224xi32>
    %mul3A_51 = arith.constant 6.000000e+00 : f32
    %mul3A_52 = arith.mulf %div3A_11, %mul3A_51 : f32
    %add3A_53 = arith.addf %reduce_min3A_6, %mul3A_52 : f32
    %ge3A_54 = vector.broadcast %add3A_53 : f32 to vector<2x224x224xf32>
    %ge3A_55 = arith.cmpf oge, %get3A_2, %ge3A_54 : vector<2x224x224xf32>
    %convert_element_type3A_56 = arith.extui %ge3A_55 : vector<2x224x224xi1> to vector<2x224x224xi32>
    %add3A_57 = arith.addi %add3A_50, %convert_element_type3A_56 : vector<2x224x224xi32>
    %mul3A_58 = arith.constant 7.000000e+00 : f32
    %mul3A_59 = arith.mulf %div3A_11, %mul3A_58 : f32
    %add3A_60 = arith.addf %reduce_min3A_6, %mul3A_59 : f32
    %ge3A_61 = vector.broadcast %add3A_60 : f32 to vector<2x224x224xf32>
    %ge3A_62 = arith.cmpf oge, %get3A_2, %ge3A_61 : vector<2x224x224xf32>
    %convert_element_type3A_63 = arith.extui %ge3A_62 : vector<2x224x224xi1> to vector<2x224x224xi32>
    %add3A_64 = arith.addi %add3A_57, %convert_element_type3A_63 : vector<2x224x224xi32>
    %mul3A_65 = arith.constant 8.000000e+00 : f32
    %mul3A_66 = arith.mulf %div3A_11, %mul3A_65 : f32
    %add3A_67 = arith.addf %reduce_min3A_6, %mul3A_66 : f32
    %ge3A_68 = vector.broadcast %add3A_67 : f32 to vector<2x224x224xf32>
    %ge3A_69 = arith.cmpf oge, %get3A_2, %ge3A_68 : vector<2x224x224xf32>
    %convert_element_type3A_70 = arith.extui %ge3A_69 : vector<2x224x224xi1> to vector<2x224x224xi32>
    %add3A_71 = arith.addi %add3A_64, %convert_element_type3A_70 : vector<2x224x224xi32>
    %mul3A_72 = arith.constant 9.000000e+00 : f32
    %mul3A_73 = arith.mulf %div3A_11, %mul3A_72 : f32
    %add3A_74 = arith.addf %reduce_min3A_6, %mul3A_73 : f32
    %ge3A_75 = vector.broadcast %add3A_74 : f32 to vector<2x224x224xf32>
    %ge3A_76 = arith.cmpf oge, %get3A_2, %ge3A_75 : vector<2x224x224xf32>
    %convert_element_type3A_77 = arith.extui %ge3A_76 : vector<2x224x224xi1> to vector<2x224x224xi32>
    %add3A_78 = arith.addi %add3A_71, %convert_element_type3A_77 : vector<2x224x224xi32>
    %slice3A = vector.extract_strided_slice %add3A_78 {offsets = [0, 0, 0], sizes = [1, 224, 224], strides = [1, 1, 1]} : vector<2x224x224xi32> to vector<1x224x224xi32>
    %squeeze3A = vector.shape_cast %slice3A : vector<1x224x224xi32> to vector<224x224xi32>
    %eq3A = arith.constant 0 : i32
    %eq3A_79 = vector.broadcast %eq3A : i32 to vector<224x224xi32>
    %eq3A_80 = arith.cmpi eq, %squeeze3A, %eq3A_79 : vector<224x224xi32>
    %convert_element_type3A_81 = arith.extui %eq3A_80 : vector<224x224xi1> to vector<224x224xi32>
    %convert_element_type3A_82 = arith.sitofp %convert_element_type3A_81 : vector<224x224xi32> to vector<224x224xf32>
    %eq3A_83 = arith.constant 1 : i32
    %eq3A_84 = vector.broadcast %eq3A_83 : i32 to vector<224x224xi32>
    %eq3A_85 = arith.cmpi eq, %squeeze3A, %eq3A_84 : vector<224x224xi32>
    %convert_element_type3A_86 = arith.extui %eq3A_85 : vector<224x224xi1> to vector<224x224xi32>
    %convert_element_type3A_87 = arith.sitofp %convert_element_type3A_86 : vector<224x224xi32> to vector<224x224xf32>
    %eq3A_88 = arith.constant 2 : i32
    %eq3A_89 = vector.broadcast %eq3A_88 : i32 to vector<224x224xi32>
    %eq3A_90 = arith.cmpi eq, %squeeze3A, %eq3A_89 : vector<224x224xi32>
    %convert_element_type3A_91 = arith.extui %eq3A_90 : vector<224x224xi1> to vector<224x224xi32>
    %convert_element_type3A_92 = arith.sitofp %convert_element_type3A_91 : vector<224x224xi32> to vector<224x224xf32>
    %eq3A_93 = arith.constant 3 : i32
    %eq3A_94 = vector.broadcast %eq3A_93 : i32 to vector<224x224xi32>
    %eq3A_95 = arith.cmpi eq, %squeeze3A, %eq3A_94 : vector<224x224xi32>
    %convert_element_type3A_96 = arith.extui %eq3A_95 : vector<224x224xi1> to vector<224x224xi32>
    %convert_element_type3A_97 = arith.sitofp %convert_element_type3A_96 : vector<224x224xi32> to vector<224x224xf32>
    %eq3A_98 = arith.constant 4 : i32
    %eq3A_99 = vector.broadcast %eq3A_98 : i32 to vector<224x224xi32>
    %eq3A_100 = arith.cmpi eq, %squeeze3A, %eq3A_99 : vector<224x224xi32>
    %convert_element_type3A_101 = arith.extui %eq3A_100 : vector<224x224xi1> to vector<224x224xi32>
    %convert_element_type3A_102 = arith.sitofp %convert_element_type3A_101 : vector<224x224xi32> to vector<224x224xf32>
    %eq3A_103 = arith.constant 5 : i32
    %eq3A_104 = vector.broadcast %eq3A_103 : i32 to vector<224x224xi32>
    %eq3A_105 = arith.cmpi eq, %squeeze3A, %eq3A_104 : vector<224x224xi32>
    %convert_element_type3A_106 = arith.extui %eq3A_105 : vector<224x224xi1> to vector<224x224xi32>
    %convert_element_type3A_107 = arith.sitofp %convert_element_type3A_106 : vector<224x224xi32> to vector<224x224xf32>
    %eq3A_108 = arith.constant 6 : i32
    %eq3A_109 = vector.broadcast %eq3A_108 : i32 to vector<224x224xi32>
    %eq3A_110 = arith.cmpi eq, %squeeze3A, %eq3A_109 : vector<224x224xi32>
    %convert_element_type3A_111 = arith.extui %eq3A_110 : vector<224x224xi1> to vector<224x224xi32>
    %convert_element_type3A_112 = arith.sitofp %convert_element_type3A_111 : vector<224x224xi32> to vector<224x224xf32>
    %eq3A_113 = arith.constant 7 : i32
    %eq3A_114 = vector.broadcast %eq3A_113 : i32 to vector<224x224xi32>
    %eq3A_115 = arith.cmpi eq, %squeeze3A, %eq3A_114 : vector<224x224xi32>
    %convert_element_type3A_116 = arith.extui %eq3A_115 : vector<224x224xi1> to vector<224x224xi32>
    %convert_element_type3A_117 = arith.sitofp %convert_element_type3A_116 : vector<224x224xi32> to vector<224x224xf32>
    %eq3A_118 = arith.constant 8 : i32
    %eq3A_119 = vector.broadcast %eq3A_118 : i32 to vector<224x224xi32>
    %eq3A_120 = arith.cmpi eq, %squeeze3A, %eq3A_119 : vector<224x224xi32>
    %convert_element_type3A_121 = arith.extui %eq3A_120 : vector<224x224xi1> to vector<224x224xi32>
    %convert_element_type3A_122 = arith.sitofp %convert_element_type3A_121 : vector<224x224xi32> to vector<224x224xf32>
    %eq3A_123 = arith.constant 9 : i32
    %eq3A_124 = vector.broadcast %eq3A_123 : i32 to vector<224x224xi32>
    %eq3A_125 = arith.cmpi eq, %squeeze3A, %eq3A_124 : vector<224x224xi32>
    %convert_element_type3A_126 = arith.extui %eq3A_125 : vector<224x224xi1> to vector<224x224xi32>
    %convert_element_type3A_127 = arith.sitofp %convert_element_type3A_126 : vector<224x224xi32> to vector<224x224xf32>
    %concatenate3A = tpu.concatenate %convert_element_type3A_82, %convert_element_type3A_87, %convert_element_type3A_92, %convert_element_type3A_97, %convert_element_type3A_102, %convert_element_type3A_107, %convert_element_type3A_112, %convert_element_type3A_117, %convert_element_type3A_122, %convert_element_type3A_127 in 0 : vector<224x224xf32>, vector<224x224xf32>, vector<224x224xf32>, vector<224x224xf32>, vector<224x224xf32>, vector<224x224xf32>, vector<224x224xf32>, vector<224x224xf32>, vector<224x224xf32>, vector<224x224xf32> -> vector<2240x224xf32>
    %get3A_128 = arith.constant 0 : index
    %get3A_129 = arith.constant 0 : index
    %get3A_130 = vector.load %arg1[%get3A_128, %get3A_129] : memref<224x56xf32, #tpu.memory_space<vmem>>, vector<224x56xf32>
    %dot_general3A = arith.constant dense<0.000000e+00> : vector<2240x56xf32>
    %dot_general3A_131 = tpu.matmul %concatenate3A, %get3A_130, %dot_general3A {dimension_numbers = #tpu.dot_dimension_numbers<[1], [0], [0], [1], [0, 0, 1, 1], [], []>, transpose_lhs_hint = false} : vector<2240x224xf32>, vector<224x56xf32>, vector<2240x56xf32> -> vector<2240x56xf32>
    %slice3A_132 = vector.extract_strided_slice %dot_general3A_131 {offsets = [0, 0], sizes = [224, 56], strides = [1, 1]} : vector<2240x56xf32> to vector<224x56xf32>
    %slice3A_133 = vector.extract_strided_slice %dot_general3A_131 {offsets = [224, 0], sizes = [224, 56], strides = [1, 1]} : vector<2240x56xf32> to vector<224x56xf32>
    %slice3A_134 = vector.extract_strided_slice %dot_general3A_131 {offsets = [448, 0], sizes = [224, 56], strides = [1, 1]} : vector<2240x56xf32> to vector<224x56xf32>
    %slice3A_135 = vector.extract_strided_slice %dot_general3A_131 {offsets = [672, 0], sizes = [224, 56], strides = [1, 1]} : vector<2240x56xf32> to vector<224x56xf32>
    %slice3A_136 = vector.extract_strided_slice %dot_general3A_131 {offsets = [896, 0], sizes = [224, 56], strides = [1, 1]} : vector<2240x56xf32> to vector<224x56xf32>
    %slice3A_137 = vector.extract_strided_slice %dot_general3A_131 {offsets = [1120, 0], sizes = [224, 56], strides = [1, 1]} : vector<2240x56xf32> to vector<224x56xf32>
    %slice3A_138 = vector.extract_strided_slice %dot_general3A_131 {offsets = [1344, 0], sizes = [224, 56], strides = [1, 1]} : vector<2240x56xf32> to vector<224x56xf32>
    %slice3A_139 = vector.extract_strided_slice %dot_general3A_131 {offsets = [1568, 0], sizes = [224, 56], strides = [1, 1]} : vector<2240x56xf32> to vector<224x56xf32>
    %slice3A_140 = vector.extract_strided_slice %dot_general3A_131 {offsets = [1792, 0], sizes = [224, 56], strides = [1, 1]} : vector<2240x56xf32> to vector<224x56xf32>
    %slice3A_141 = vector.extract_strided_slice %dot_general3A_131 {offsets = [2016, 0], sizes = [224, 56], strides = [1, 1]} : vector<2240x56xf32> to vector<224x56xf32>
    %concatenate3A_142 = tpu.concatenate %slice3A_132, %slice3A_133, %slice3A_134, %slice3A_135, %slice3A_136, %slice3A_137, %slice3A_138, %slice3A_139, %slice3A_140, %slice3A_141 in 1 : vector<224x56xf32>, vector<224x56xf32>, vector<224x56xf32>, vector<224x56xf32>, vector<224x56xf32>, vector<224x56xf32>, vector<224x56xf32>, vector<224x56xf32>, vector<224x56xf32>, vector<224x56xf32> -> vector<224x560xf32>
    %get3A_143 = arith.constant 0 : index
    %get3A_144 = arith.constant 0 : index
    %get3A_145 = vector.load %arg2[%get3A_143, %get3A_144] : memref<56x224xf32, #tpu.memory_space<vmem>>, vector<56x224xf32>
    %dot_general3A_146 = arith.constant dense<0.000000e+00> : vector<56x560xf32>
    %dot_general3A_147 = tpu.matmul %get3A_145, %concatenate3A_142, %dot_general3A_146 {dimension_numbers = #tpu.dot_dimension_numbers<[1], [0], [0], [1], [0, 0, 1, 1], [], []>, transpose_lhs_hint = false} : vector<56x224xf32>, vector<224x560xf32>, vector<56x560xf32> -> vector<56x560xf32>
    %swap3A_148 = arith.constant 0 : index
    %swap3A_149 = arith.constant 0 : index
    %swap3A_150 = arith.constant 0 : index
    %swap3A_151 = vector.load %arg7[%swap3A_148, %swap3A_149, %swap3A_150] : memref<2x56x560xf32, #tpu.memory_space<vmem>>, vector<1x56x560xf32>
    %swap3A_152 = vector.shape_cast %swap3A_151 : vector<1x56x560xf32> to vector<56x560xf32>
    %swap3A_153 = vector.shape_cast %dot_general3A_147 : vector<56x560xf32> to vector<1x56x560xf32>
    tpu.vector_store %arg7[%swap3A_148, %swap3A_149, %swap3A_150], %swap3A_153 {strides = array<i32>} : memref<2x56x560xf32, #tpu.memory_space<vmem>>, vector<1x56x560xf32>,
    %get3A_154 = arith.constant 0 : index
    %get3A_155 = arith.constant 0 : index
    %get3A_156 = vector.load %arg3[%get3A_154, %get3A_155] : memref<224x28xf32, #tpu.memory_space<vmem>>, vector<224x28xf32>
    %dot_general3A_157 = arith.constant dense<0.000000e+00> : vector<2240x28xf32>
    %dot_general3A_158 = tpu.matmul %concatenate3A, %get3A_156, %dot_general3A_157 {dimension_numbers = #tpu.dot_dimension_numbers<[1], [0], [0], [1], [0, 0, 1, 1], [], []>, transpose_lhs_hint = false} : vector<2240x224xf32>, vector<224x28xf32>, vector<2240x28xf32> -> vector<2240x28xf32>
    %slice3A_159 = vector.extract_strided_slice %dot_general3A_158 {offsets = [0, 0], sizes = [224, 28], strides = [1, 1]} : vector<2240x28xf32> to vector<224x28xf32>
    %slice3A_160 = vector.extract_strided_slice %dot_general3A_158 {offsets = [224, 0], sizes = [224, 28], strides = [1, 1]} : vector<2240x28xf32> to vector<224x28xf32>
    %slice3A_161 = vector.extract_strided_slice %dot_general3A_158 {offsets = [448, 0], sizes = [224, 28], strides = [1, 1]} : vector<2240x28xf32> to vector<224x28xf32>
    %slice3A_162 = vector.extract_strided_slice %dot_general3A_158 {offsets = [672, 0], sizes = [224, 28], strides = [1, 1]} : vector<2240x28xf32> to vector<224x28xf32>
    %slice3A_163 = vector.extract_strided_slice %dot_general3A_158 {offsets = [896, 0], sizes = [224, 28], strides = [1, 1]} : vector<2240x28xf32> to vector<224x28xf32>
    %slice3A_164 = vector.extract_strided_slice %dot_general3A_158 {offsets = [1120, 0], sizes = [224, 28], strides = [1, 1]} : vector<2240x28xf32> to vector<224x28xf32>
    %slice3A_165 = vector.extract_strided_slice %dot_general3A_158 {offsets = [1344, 0], sizes = [224, 28], strides = [1, 1]} : vector<2240x28xf32> to vector<224x28xf32>
    %slice3A_166 = vector.extract_strided_slice %dot_general3A_158 {offsets = [1568, 0], sizes = [224, 28], strides = [1, 1]} : vector<2240x28xf32> to vector<224x28xf32>
    %slice3A_167 = vector.extract_strided_slice %dot_general3A_158 {offsets = [1792, 0], sizes = [224, 28], strides = [1, 1]} : vector<2240x28xf32> to vector<224x28xf32>
    %slice3A_168 = vector.extract_strided_slice %dot_general3A_158 {offsets = [2016, 0], sizes = [224, 28], strides = [1, 1]} : vector<2240x28xf32> to vector<224x28xf32>
    %concatenate3A_169 = tpu.concatenate %slice3A_159, %slice3A_160, %slice3A_161, %slice3A_162, %slice3A_163, %slice3A_164, %slice3A_165, %slice3A_166, %slice3A_167, %slice3A_168 in 1 : vector<224x28xf32>, vector<224x28xf32>, vector<224x28xf32>, vector<224x28xf32>, vector<224x28xf32>, vector<224x28xf32>, vector<224x28xf32>, vector<224x28xf32>, vector<224x28xf32>, vector<224x28xf32> -> vector<224x280xf32>
    %get3A_170 = arith.constant 0 : index
    %get3A_171 = arith.constant 0 : index
    %get3A_172 = vector.load %arg4[%get3A_170, %get3A_171] : memref<28x224xf32, #tpu.memory_space<vmem>>, vector<28x224xf32>
    %dot_general3A_173 = arith.constant dense<0.000000e+00> : vector<28x280xf32>
    %dot_general3A_174 = tpu.matmul %get3A_172, %concatenate3A_169, %dot_general3A_173 {dimension_numbers = #tpu.dot_dimension_numbers<[1], [0], [0], [1], [0, 0, 1, 1], [], []>, transpose_lhs_hint = false} : vector<28x224xf32>, vector<224x280xf32>, vector<28x280xf32> -> vector<28x280xf32>
    %swap3A_175 = arith.constant 0 : index
    %swap3A_176 = arith.constant 0 : index
    %swap3A_177 = arith.constant 0 : index
    %swap3A_178 = vector.load %arg8[%swap3A_175, %swap3A_176, %swap3A_177] : memref<2x28x280xf32, #tpu.memory_space<vmem>>, vector<1x28x280xf32>
    %swap3A_179 = vector.shape_cast %swap3A_178 : vector<1x28x280xf32> to vector<28x280xf32>
    %swap3A_180 = vector.shape_cast %dot_general3A_174 : vector<28x280xf32> to vector<1x28x280xf32>
    tpu.vector_store %arg8[%swap3A_175, %swap3A_176, %swap3A_177], %swap3A_180 {strides = array<i32>} : memref<2x28x280xf32, #tpu.memory_space<vmem>>, vector<1x28x280xf32>,
    %get3A_181 = arith.constant 0 : index
    %get3A_182 = arith.constant 0 : index
    %get3A_183 = vector.load %arg5[%get3A_181, %get3A_182] : memref<224x14xf32, #tpu.memory_space<vmem>>, vector<224x14xf32>
    %dot_general3A_184 = arith.constant dense<0.000000e+00> : vector<2240x14xf32>
    %dot_general3A_185 = tpu.matmul %concatenate3A, %get3A_183, %dot_general3A_184 {dimension_numbers = #tpu.dot_dimension_numbers<[1], [0], [0], [1], [0, 0, 1, 1], [], []>, transpose_lhs_hint = false} : vector<2240x224xf32>, vector<224x14xf32>, vector<2240x14xf32> -> vector<2240x14xf32>
    %slice3A_186 = vector.extract_strided_slice %dot_general3A_185 {offsets = [0, 0], sizes = [224, 14], strides = [1, 1]} : vector<2240x14xf32> to vector<224x14xf32>
    %slice3A_187 = vector.extract_strided_slice %dot_general3A_185 {offsets = [224, 0], sizes = [224, 14], strides = [1, 1]} : vector<2240x14xf32> to vector<224x14xf32>
    %slice3A_188 = vector.extract_strided_slice %dot_general3A_185 {offsets = [448, 0], sizes = [224, 14], strides = [1, 1]} : vector<2240x14xf32> to vector<224x14xf32>
    %slice3A_189 = vector.extract_strided_slice %dot_general3A_185 {offsets = [672, 0], sizes = [224, 14], strides = [1, 1]} : vector<2240x14xf32> to vector<224x14xf32>
    %slice3A_190 = vector.extract_strided_slice %dot_general3A_185 {offsets = [896, 0], sizes = [224, 14], strides = [1, 1]} : vector<2240x14xf32> to vector<224x14xf32>
    %slice3A_191 = vector.extract_strided_slice %dot_general3A_185 {offsets = [1120, 0], sizes = [224, 14], strides = [1, 1]} : vector<2240x14xf32> to vector<224x14xf32>
    %slice3A_192 = vector.extract_strided_slice %dot_general3A_185 {offsets = [1344, 0], sizes = [224, 14], strides = [1, 1]} : vector<2240x14xf32> to vector<224x14xf32>
    %slice3A_193 = vector.extract_strided_slice %dot_general3A_185 {offsets = [1568, 0], sizes = [224, 14], strides = [1, 1]} : vector<2240x14xf32> to vector<224x14xf32>
    %slice3A_194 = vector.extract_strided_slice %dot_general3A_185 {offsets = [1792, 0], sizes = [224, 14], strides = [1, 1]} : vector<2240x14xf32> to vector<224x14xf32>
    %slice3A_195 = vector.extract_strided_slice %dot_general3A_185 {offsets = [2016, 0], sizes = [224, 14], strides = [1, 1]} : vector<2240x14xf32> to vector<224x14xf32>
    %concatenate3A_196 = tpu.concatenate %slice3A_186, %slice3A_187, %slice3A_188, %slice3A_189, %slice3A_190, %slice3A_191, %slice3A_192, %slice3A_193, %slice3A_194, %slice3A_195 in 1 : vector<224x14xf32>, vector<224x14xf32>, vector<224x14xf32>, vector<224x14xf32>, vector<224x14xf32>, vector<224x14xf32>, vector<224x14xf32>, vector<224x14xf32>, vector<224x14xf32>, vector<224x14xf32> -> vector<224x140xf32>
    %get3A_197 = arith.constant 0 : index
    %get3A_198 = arith.constant 0 : index
    %get3A_199 = vector.load %arg6[%get3A_197, %get3A_198] : memref<14x224xf32, #tpu.memory_space<vmem>>, vector<14x224xf32>
    %dot_general3A_200 = arith.constant dense<0.000000e+00> : vector<14x140xf32>
    %dot_general3A_201 = tpu.matmul %get3A_199, %concatenate3A_196, %dot_general3A_200 {dimension_numbers = #tpu.dot_dimension_numbers<[1], [0], [0], [1], [0, 0, 1, 1], [], []>, transpose_lhs_hint = false} : vector<14x224xf32>, vector<224x140xf32>, vector<14x140xf32> -> vector<14x140xf32>
    %swap3A_202 = arith.constant 0 : index
    %swap3A_203 = arith.constant 0 : index
    %swap3A_204 = arith.constant 0 : index
    %swap3A_205 = vector.load %arg9[%swap3A_202, %swap3A_203, %swap3A_204] : memref<2x14x140xf32, #tpu.memory_space<vmem>>, vector<1x14x140xf32>
    %swap3A_206 = vector.shape_cast %swap3A_205 : vector<1x14x140xf32> to vector<14x140xf32>
    %swap3A_207 = vector.shape_cast %dot_general3A_201 : vector<14x140xf32> to vector<1x14x140xf32>
    tpu.vector_store %arg9[%swap3A_202, %swap3A_203, %swap3A_204], %swap3A_207 {strides = array<i32>} : memref<2x14x140xf32, #tpu.memory_space<vmem>>, vector<1x14x140xf32>,
    %slice3A_208 = vector.extract_strided_slice %add3A_78 {offsets = [1, 0, 0], sizes = [1, 224, 224], strides = [1, 1, 1]} : vector<2x224x224xi32> to vector<1x224x224xi32>
    %squeeze3A_209 = vector.shape_cast %slice3A_208 : vector<1x224x224xi32> to vector<224x224xi32>
    %eq3A_210 = arith.constant 0 : i32
    %eq3A_211 = vector.broadcast %eq3A_210 : i32 to vector<224x224xi32>
    %eq3A_212 = arith.cmpi eq, %squeeze3A_209, %eq3A_211 : vector<224x224xi32>
    %convert_element_type3A_213 = arith.extui %eq3A_212 : vector<224x224xi1> to vector<224x224xi32>
    %convert_element_type3A_214 = arith.sitofp %convert_element_type3A_213 : vector<224x224xi32> to vector<224x224xf32>
    %eq3A_215 = arith.constant 1 : i32
    %eq3A_216 = vector.broadcast %eq3A_215 : i32 to vector<224x224xi32>
    %eq3A_217 = arith.cmpi eq, %squeeze3A_209, %eq3A_216 : vector<224x224xi32>
    %convert_element_type3A_218 = arith.extui %eq3A_217 : vector<224x224xi1> to vector<224x224xi32>
    %convert_element_type3A_219 = arith.sitofp %convert_element_type3A_218 : vector<224x224xi32> to vector<224x224xf32>
    %eq3A_220 = arith.constant 2 : i32
    %eq3A_221 = vector.broadcast %eq3A_220 : i32 to vector<224x224xi32>
    %eq3A_222 = arith.cmpi eq, %squeeze3A_209, %eq3A_221 : vector<224x224xi32>
    %convert_element_type3A_223 = arith.extui %eq3A_222 : vector<224x224xi1> to vector<224x224xi32>
    %convert_element_type3A_224 = arith.sitofp %convert_element_type3A_223 : vector<224x224xi32> to vector<224x224xf32>
    %eq3A_225 = arith.constant 3 : i32
    %eq3A_226 = vector.broadcast %eq3A_225 : i32 to vector<224x224xi32>
    %eq3A_227 = arith.cmpi eq, %squeeze3A_209, %eq3A_226 : vector<224x224xi32>
    %convert_element_type3A_228 = arith.extui %eq3A_227 : vector<224x224xi1> to vector<224x224xi32>
    %convert_element_type3A_229 = arith.sitofp %convert_element_type3A_228 : vector<224x224xi32> to vector<224x224xf32>
    %eq3A_230 = arith.constant 4 : i32
    %eq3A_231 = vector.broadcast %eq3A_230 : i32 to vector<224x224xi32>
    %eq3A_232 = arith.cmpi eq, %squeeze3A_209, %eq3A_231 : vector<224x224xi32>
    %convert_element_type3A_233 = arith.extui %eq3A_232 : vector<224x224xi1> to vector<224x224xi32>
    %convert_element_type3A_234 = arith.sitofp %convert_element_type3A_233 : vector<224x224xi32> to vector<224x224xf32>
    %eq3A_235 = arith.constant 5 : i32
    %eq3A_236 = vector.broadcast %eq3A_235 : i32 to vector<224x224xi32>
    %eq3A_237 = arith.cmpi eq, %squeeze3A_209, %eq3A_236 : vector<224x224xi32>
    %convert_element_type3A_238 = arith.extui %eq3A_237 : vector<224x224xi1> to vector<224x224xi32>
    %convert_element_type3A_239 = arith.sitofp %convert_element_type3A_238 : vector<224x224xi32> to vector<224x224xf32>
    %eq3A_240 = arith.constant 6 : i32
    %eq3A_241 = vector.broadcast %eq3A_240 : i32 to vector<224x224xi32>
    %eq3A_242 = arith.cmpi eq, %squeeze3A_209, %eq3A_241 : vector<224x224xi32>
    %convert_element_type3A_243 = arith.extui %eq3A_242 : vector<224x224xi1> to vector<224x224xi32>
    %convert_element_type3A_244 = arith.sitofp %convert_element_type3A_243 : vector<224x224xi32> to vector<224x224xf32>
    %eq3A_245 = arith.constant 7 : i32
    %eq3A_246 = vector.broadcast %eq3A_245 : i32 to vector<224x224xi32>
    %eq3A_247 = arith.cmpi eq, %squeeze3A_209, %eq3A_246 : vector<224x224xi32>
    %convert_element_type3A_248 = arith.extui %eq3A_247 : vector<224x224xi1> to vector<224x224xi32>
    %convert_element_type3A_249 = arith.sitofp %convert_element_type3A_248 : vector<224x224xi32> to vector<224x224xf32>
    %eq3A_250 = arith.constant 8 : i32
    %eq3A_251 = vector.broadcast %eq3A_250 : i32 to vector<224x224xi32>
    %eq3A_252 = arith.cmpi eq, %squeeze3A_209, %eq3A_251 : vector<224x224xi32>
    %convert_element_type3A_253 = arith.extui %eq3A_252 : vector<224x224xi1> to vector<224x224xi32>
    %convert_element_type3A_254 = arith.sitofp %convert_element_type3A_253 : vector<224x224xi32> to vector<224x224xf32>
    %eq3A_255 = arith.constant 9 : i32
    %eq3A_256 = vector.broadcast %eq3A_255 : i32 to vector<224x224xi32>
    %eq3A_257 = arith.cmpi eq, %squeeze3A_209, %eq3A_256 : vector<224x224xi32>
    %convert_element_type3A_258 = arith.extui %eq3A_257 : vector<224x224xi1> to vector<224x224xi32>
    %convert_element_type3A_259 = arith.sitofp %convert_element_type3A_258 : vector<224x224xi32> to vector<224x224xf32>
    %concatenate3A_260 = tpu.concatenate %convert_element_type3A_214, %convert_element_type3A_219, %convert_element_type3A_224, %convert_element_type3A_229, %convert_element_type3A_234, %convert_element_type3A_239, %convert_element_type3A_244, %convert_element_type3A_249, %convert_element_type3A_254, %convert_element_type3A_259 in 0 : vector<224x224xf32>, vector<224x224xf32>, vector<224x224xf32>, vector<224x224xf32>, vector<224x224xf32>, vector<224x224xf32>, vector<224x224xf32>, vector<224x224xf32>, vector<224x224xf32>, vector<224x224xf32> -> vector<2240x224xf32>
    %get3A_261 = arith.constant 0 : index
    %get3A_262 = arith.constant 0 : index
    %get3A_263 = vector.load %arg1[%get3A_261, %get3A_262] : memref<224x56xf32, #tpu.memory_space<vmem>>, vector<224x56xf32>
    %dot_general3A_264 = arith.constant dense<0.000000e+00> : vector<2240x56xf32>
    %dot_general3A_265 = tpu.matmul %concatenate3A_260, %get3A_263, %dot_general3A_264 {dimension_numbers = #tpu.dot_dimension_numbers<[1], [0], [0], [1], [0, 0, 1, 1], [], []>, transpose_lhs_hint = false} : vector<2240x224xf32>, vector<224x56xf32>, vector<2240x56xf32> -> vector<2240x56xf32>
    %slice3A_266 = vector.extract_strided_slice %dot_general3A_265 {offsets = [0, 0], sizes = [224, 56], strides = [1, 1]} : vector<2240x56xf32> to vector<224x56xf32>
    %slice3A_267 = vector.extract_strided_slice %dot_general3A_265 {offsets = [224, 0], sizes = [224, 56], strides = [1, 1]} : vector<2240x56xf32> to vector<224x56xf32>
    %slice3A_268 = vector.extract_strided_slice %dot_general3A_265 {offsets = [448, 0], sizes = [224, 56], strides = [1, 1]} : vector<2240x56xf32> to vector<224x56xf32>
    %slice3A_269 = vector.extract_strided_slice %dot_general3A_265 {offsets = [672, 0], sizes = [224, 56], strides = [1, 1]} : vector<2240x56xf32> to vector<224x56xf32>
    %slice3A_270 = vector.extract_strided_slice %dot_general3A_265 {offsets = [896, 0], sizes = [224, 56], strides = [1, 1]} : vector<2240x56xf32> to vector<224x56xf32>
    %slice3A_271 = vector.extract_strided_slice %dot_general3A_265 {offsets = [1120, 0], sizes = [224, 56], strides = [1, 1]} : vector<2240x56xf32> to vector<224x56xf32>
    %slice3A_272 = vector.extract_strided_slice %dot_general3A_265 {offsets = [1344, 0], sizes = [224, 56], strides = [1, 1]} : vector<2240x56xf32> to vector<224x56xf32>
    %slice3A_273 = vector.extract_strided_slice %dot_general3A_265 {offsets = [1568, 0], sizes = [224, 56], strides = [1, 1]} : vector<2240x56xf32> to vector<224x56xf32>
    %slice3A_274 = vector.extract_strided_slice %dot_general3A_265 {offsets = [1792, 0], sizes = [224, 56], strides = [1, 1]} : vector<2240x56xf32> to vector<224x56xf32>
    %slice3A_275 = vector.extract_strided_slice %dot_general3A_265 {offsets = [2016, 0], sizes = [224, 56], strides = [1, 1]} : vector<2240x56xf32> to vector<224x56xf32>
    %concatenate3A_276 = tpu.concatenate %slice3A_266, %slice3A_267, %slice3A_268, %slice3A_269, %slice3A_270, %slice3A_271, %slice3A_272, %slice3A_273, %slice3A_274, %slice3A_275 in 1 : vector<224x56xf32>, vector<224x56xf32>, vector<224x56xf32>, vector<224x56xf32>, vector<224x56xf32>, vector<224x56xf32>, vector<224x56xf32>, vector<224x56xf32>, vector<224x56xf32>, vector<224x56xf32> -> vector<224x560xf32>
    %get3A_277 = arith.constant 0 : index
    %get3A_278 = arith.constant 0 : index
    %get3A_279 = vector.load %arg2[%get3A_277, %get3A_278] : memref<56x224xf32, #tpu.memory_space<vmem>>, vector<56x224xf32>
    %dot_general3A_280 = arith.constant dense<0.000000e+00> : vector<56x560xf32>
    %dot_general3A_281 = tpu.matmul %get3A_279, %concatenate3A_276, %dot_general3A_280 {dimension_numbers = #tpu.dot_dimension_numbers<[1], [0], [0], [1], [0, 0, 1, 1], [], []>, transpose_lhs_hint = false} : vector<56x224xf32>, vector<224x560xf32>, vector<56x560xf32> -> vector<56x560xf32>
    %swap3A_282 = arith.constant 1 : index
    %swap3A_283 = arith.constant 0 : index
    %swap3A_284 = arith.constant 0 : index
    %swap3A_285 = vector.load %arg7[%swap3A_282, %swap3A_283, %swap3A_284] : memref<2x56x560xf32, #tpu.memory_space<vmem>>, vector<1x56x560xf32>
    %swap3A_286 = vector.shape_cast %swap3A_285 : vector<1x56x560xf32> to vector<56x560xf32>
    %swap3A_287 = vector.shape_cast %dot_general3A_281 : vector<56x560xf32> to vector<1x56x560xf32>
    tpu.vector_store %arg7[%swap3A_282, %swap3A_283, %swap3A_284], %swap3A_287 {strides = array<i32>} : memref<2x56x560xf32, #tpu.memory_space<vmem>>, vector<1x56x560xf32>,
    %get3A_288 = arith.constant 0 : index
    %get3A_289 = arith.constant 0 : index
    %get3A_290 = vector.load %arg3[%get3A_288, %get3A_289] : memref<224x28xf32, #tpu.memory_space<vmem>>, vector<224x28xf32>
    %dot_general3A_291 = arith.constant dense<0.000000e+00> : vector<2240x28xf32>
    %dot_general3A_292 = tpu.matmul %concatenate3A_260, %get3A_290, %dot_general3A_291 {dimension_numbers = #tpu.dot_dimension_numbers<[1], [0], [0], [1], [0, 0, 1, 1], [], []>, transpose_lhs_hint = false} : vector<2240x224xf32>, vector<224x28xf32>, vector<2240x28xf32> -> vector<2240x28xf32>
    %slice3A_293 = vector.extract_strided_slice %dot_general3A_292 {offsets = [0, 0], sizes = [224, 28], strides = [1, 1]} : vector<2240x28xf32> to vector<224x28xf32>
    %slice3A_294 = vector.extract_strided_slice %dot_general3A_292 {offsets = [224, 0], sizes = [224, 28], strides = [1, 1]} : vector<2240x28xf32> to vector<224x28xf32>
    %slice3A_295 = vector.extract_strided_slice %dot_general3A_292 {offsets = [448, 0], sizes = [224, 28], strides = [1, 1]} : vector<2240x28xf32> to vector<224x28xf32>
    %slice3A_296 = vector.extract_strided_slice %dot_general3A_292 {offsets = [672, 0], sizes = [224, 28], strides = [1, 1]} : vector<2240x28xf32> to vector<224x28xf32>
    %slice3A_297 = vector.extract_strided_slice %dot_general3A_292 {offsets = [896, 0], sizes = [224, 28], strides = [1, 1]} : vector<2240x28xf32> to vector<224x28xf32>
    %slice3A_298 = vector.extract_strided_slice %dot_general3A_292 {offsets = [1120, 0], sizes = [224, 28], strides = [1, 1]} : vector<2240x28xf32> to vector<224x28xf32>
    %slice3A_299 = vector.extract_strided_slice %dot_general3A_292 {offsets = [1344, 0], sizes = [224, 28], strides = [1, 1]} : vector<2240x28xf32> to vector<224x28xf32>
    %slice3A_300 = vector.extract_strided_slice %dot_general3A_292 {offsets = [1568, 0], sizes = [224, 28], strides = [1, 1]} : vector<2240x28xf32> to vector<224x28xf32>
    %slice3A_301 = vector.extract_strided_slice %dot_general3A_292 {offsets = [1792, 0], sizes = [224, 28], strides = [1, 1]} : vector<2240x28xf32> to vector<224x28xf32>
    %slice3A_302 = vector.extract_strided_slice %dot_general3A_292 {offsets = [2016, 0], sizes = [224, 28], strides = [1, 1]} : vector<2240x28xf32> to vector<224x28xf32>
    %concatenate3A_303 = tpu.concatenate %slice3A_293, %slice3A_294, %slice3A_295, %slice3A_296, %slice3A_297, %slice3A_298, %slice3A_299, %slice3A_300, %slice3A_301, %slice3A_302 in 1 : vector<224x28xf32>, vector<224x28xf32>, vector<224x28xf32>, vector<224x28xf32>, vector<224x28xf32>, vector<224x28xf32>, vector<224x28xf32>, vector<224x28xf32>, vector<224x28xf32>, vector<224x28xf32> -> vector<224x280xf32>
    %get3A_304 = arith.constant 0 : index
    %get3A_305 = arith.constant 0 : index
    %get3A_306 = vector.load %arg4[%get3A_304, %get3A_305] : memref<28x224xf32, #tpu.memory_space<vmem>>, vector<28x224xf32>
    %dot_general3A_307 = arith.constant dense<0.000000e+00> : vector<28x280xf32>
    %dot_general3A_308 = tpu.matmul %get3A_306, %concatenate3A_303, %dot_general3A_307 {dimension_numbers = #tpu.dot_dimension_numbers<[1], [0], [0], [1], [0, 0, 1, 1], [], []>, transpose_lhs_hint = false} : vector<28x224xf32>, vector<224x280xf32>, vector<28x280xf32> -> vector<28x280xf32>
    %swap3A_309 = arith.constant 1 : index
    %swap3A_310 = arith.constant 0 : index
    %swap3A_311 = arith.constant 0 : index
    %swap3A_312 = vector.load %arg8[%swap3A_309, %swap3A_310, %swap3A_311] : memref<2x28x280xf32, #tpu.memory_space<vmem>>, vector<1x28x280xf32>
    %swap3A_313 = vector.shape_cast %swap3A_312 : vector<1x28x280xf32> to vector<28x280xf32>
    %swap3A_314 = vector.shape_cast %dot_general3A_308 : vector<28x280xf32> to vector<1x28x280xf32>
    tpu.vector_store %arg8[%swap3A_309, %swap3A_310, %swap3A_311], %swap3A_314 {strides = array<i32>} : memref<2x28x280xf32, #tpu.memory_space<vmem>>, vector<1x28x280xf32>,
    %get3A_315 = arith.constant 0 : index
    %get3A_316 = arith.constant 0 : index
    %get3A_317 = vector.load %arg5[%get3A_315, %get3A_316] : memref<224x14xf32, #tpu.memory_space<vmem>>, vector<224x14xf32>
    %dot_general3A_318 = arith.constant dense<0.000000e+00> : vector<2240x14xf32>
    %dot_general3A_319 = tpu.matmul %concatenate3A_260, %get3A_317, %dot_general3A_318 {dimension_numbers = #tpu.dot_dimension_numbers<[1], [0], [0], [1], [0, 0, 1, 1], [], []>, transpose_lhs_hint = false} : vector<2240x224xf32>, vector<224x14xf32>, vector<2240x14xf32> -> vector<2240x14xf32>
    %slice3A_320 = vector.extract_strided_slice %dot_general3A_319 {offsets = [0, 0], sizes = [224, 14], strides = [1, 1]} : vector<2240x14xf32> to vector<224x14xf32>
    %slice3A_321 = vector.extract_strided_slice %dot_general3A_319 {offsets = [224, 0], sizes = [224, 14], strides = [1, 1]} : vector<2240x14xf32> to vector<224x14xf32>
    %slice3A_322 = vector.extract_strided_slice %dot_general3A_319 {offsets = [448, 0], sizes = [224, 14], strides = [1, 1]} : vector<2240x14xf32> to vector<224x14xf32>
    %slice3A_323 = vector.extract_strided_slice %dot_general3A_319 {offsets = [672, 0], sizes = [224, 14], strides = [1, 1]} : vector<2240x14xf32> to vector<224x14xf32>
    %slice3A_324 = vector.extract_strided_slice %dot_general3A_319 {offsets = [896, 0], sizes = [224, 14], strides = [1, 1]} : vector<2240x14xf32> to vector<224x14xf32>
    %slice3A_325 = vector.extract_strided_slice %dot_general3A_319 {offsets = [1120, 0], sizes = [224, 14], strides = [1, 1]} : vector<2240x14xf32> to vector<224x14xf32>
    %slice3A_326 = vector.extract_strided_slice %dot_general3A_319 {offsets = [1344, 0], sizes = [224, 14], strides = [1, 1]} : vector<2240x14xf32> to vector<224x14xf32>
    %slice3A_327 = vector.extract_strided_slice %dot_general3A_319 {offsets = [1568, 0], sizes = [224, 14], strides = [1, 1]} : vector<2240x14xf32> to vector<224x14xf32>
    %slice3A_328 = vector.extract_strided_slice %dot_general3A_319 {offsets = [1792, 0], sizes = [224, 14], strides = [1, 1]} : vector<2240x14xf32> to vector<224x14xf32>
    %slice3A_329 = vector.extract_strided_slice %dot_general3A_319 {offsets = [2016, 0], sizes = [224, 14], strides = [1, 1]} : vector<2240x14xf32> to vector<224x14xf32>
    %concatenate3A_330 = tpu.concatenate %slice3A_320, %slice3A_321, %slice3A_322, %slice3A_323, %slice3A_324, %slice3A_325, %slice3A_326, %slice3A_327, %slice3A_328, %slice3A_329 in 1 : vector<224x14xf32>, vector<224x14xf32>, vector<224x14xf32>, vector<224x14xf32>, vector<224x14xf32>, vector<224x14xf32>, vector<224x14xf32>, vector<224x14xf32>, vector<224x14xf32>, vector<224x14xf32> -> vector<224x140xf32>
    %get3A_331 = arith.constant 0 : index
    %get3A_332 = arith.constant 0 : index
    %get3A_333 = vector.load %arg6[%get3A_331, %get3A_332] : memref<14x224xf32, #tpu.memory_space<vmem>>, vector<14x224xf32>
    %dot_general3A_334 = arith.constant dense<0.000000e+00> : vector<14x140xf32>
    %dot_general3A_335 = tpu.matmul %get3A_333, %concatenate3A_330, %dot_general3A_334 {dimension_numbers = #tpu.dot_dimension_numbers<[1], [0], [0], [1], [0, 0, 1, 1], [], []>, transpose_lhs_hint = false} : vector<14x224xf32>, vector<224x140xf32>, vector<14x140xf32> -> vector<14x140xf32>
    %swap3A_336 = arith.constant 1 : index
    %swap3A_337 = arith.constant 0 : index
    %swap3A_338 = arith.constant 0 : index
    %swap3A_339 = vector.load %arg9[%swap3A_336, %swap3A_337, %swap3A_338] : memref<2x14x140xf32, #tpu.memory_space<vmem>>, vector<1x14x140xf32>
    %swap3A_340 = vector.shape_cast %swap3A_339 : vector<1x14x140xf32> to vector<14x140xf32>
    %swap3A_341 = vector.shape_cast %dot_general3A_335 : vector<14x140xf32> to vector<1x14x140xf32>
    tpu.vector_store %arg9[%swap3A_336, %swap3A_337, %swap3A_338], %swap3A_341 {strides = array<i32>} : memref<2x14x140xf32, #tpu.memory_space<vmem>>, vector<1x14x140xf32>,
    return
  }
}

module attributes {stable_mosaic.version = 14 : i64} {
  func.func @_c2_body(%arg0: memref<2x96x3136xf32, #tpu.memory_space<vmem>>, %arg1: memref<2x3136x10xf32, #tpu.memory_space<vmem>>, %arg2: memref<2x192x784xf32, #tpu.memory_space<vmem>>, %arg3: memref<2x784x10xf32, #tpu.memory_space<vmem>>, %arg4: memref<2x384x196xf32, #tpu.memory_space<vmem>>, %arg5: memref<2x196x10xf32, #tpu.memory_space<vmem>>, %arg6: memref<32x10x16xf32, #tpu.memory_space<vmem>>, %arg7: memref<3x384x10xf32, #tpu.memory_space<vmem>>) attributes {dimension_semantics = [], scalar_prefetch = 0 : i64, scratch_operands = 0 : i64, tpu.core_type = #tpu.core_type<tc>} {
    %get3A = arith.constant 0 : index
    %get3A_0 = arith.constant 0 : index
    %get3A_1 = arith.constant 0 : index
    %get3A_2 = vector.load %arg6[%get3A, %get3A_0, %get3A_1] : memref<32x10x16xf32, #tpu.memory_space<vmem>>, vector<32x10x16xf32>
    %reduce_sum3A = arith.constant dense<0.000000e+00> : vector<10xf32>
    %reduce_sum3A_3 = vector.multi_reduction <add>, %get3A_2, %reduce_sum3A [0, 2] : vector<32x10x16xf32> to vector<10xf32>
    %max3A = arith.constant 9.99999997E-7 : f32
    %max3A_4 = vector.broadcast %max3A : f32 to vector<10xf32>
    %max3A_5 = arith.maximumf %reduce_sum3A_3, %max3A_4 : vector<10xf32>
    %div3A = arith.constant 1.000000e+00 : f32
    %div3A_6 = vector.broadcast %div3A : f32 to vector<10xf32>
    %div3A_7 = arith.divf %div3A_6, %max3A_5 : vector<10xf32>
    %broadcast_in_dim3A = arith.constant 0.000000e+00 : f32
    %broadcast_in_dim3A_8 = vector.broadcast %broadcast_in_dim3A : f32 to vector<3x384x10xf32>
    %swap3A = arith.constant 0 : index
    %swap3A_9 = arith.constant 0 : index
    %swap3A_10 = arith.constant 0 : index
    %swap3A_11 = vector.load %arg7[%swap3A, %swap3A_9, %swap3A_10] : memref<3x384x10xf32, #tpu.memory_space<vmem>>, vector<3x384x10xf32>
    tpu.vector_store %arg7[%swap3A, %swap3A_9, %swap3A_10], %broadcast_in_dim3A_8 {strides = array<i32>} : memref<3x384x10xf32, #tpu.memory_space<vmem>>, vector<3x384x10xf32>,
    %get3A_12 = arith.constant 0 : index
    %get3A_13 = arith.constant 0 : index
    %get3A_14 = arith.constant 0 : index
    %get3A_15 = vector.load %arg0[%get3A_12, %get3A_13, %get3A_14] : memref<2x96x3136xf32, #tpu.memory_space<vmem>>, vector<1x96x3136xf32>
    %get3A_16 = vector.shape_cast %get3A_15 : vector<1x96x3136xf32> to vector<96x3136xf32>
    %get3A_17 = arith.constant 0 : index
    %get3A_18 = arith.constant 0 : index
    %get3A_19 = arith.constant 0 : index
    %get3A_20 = vector.load %arg1[%get3A_17, %get3A_18, %get3A_19] : memref<2x3136x10xf32, #tpu.memory_space<vmem>>, vector<1x3136x10xf32>
    %get3A_21 = vector.shape_cast %get3A_20 : vector<1x3136x10xf32> to vector<3136x10xf32>
    %dot_general3A = arith.constant dense<0.000000e+00> : vector<96x10xf32>
    %dot_general3A_22 = tpu.matmul %get3A_16, %get3A_21, %dot_general3A {dimension_numbers = #tpu.dot_dimension_numbers<[1], [0], [0], [1], [0, 0, 1, 1], [], []>, transpose_lhs_hint = false} : vector<96x3136xf32>, vector<3136x10xf32>, vector<96x10xf32> -> vector<96x10xf32>
    %get3A_23 = arith.constant 1 : index
    %get3A_24 = arith.constant 0 : index
    %get3A_25 = arith.constant 0 : index
    %get3A_26 = vector.load %arg0[%get3A_23, %get3A_24, %get3A_25] : memref<2x96x3136xf32, #tpu.memory_space<vmem>>, vector<1x96x3136xf32>
    %get3A_27 = vector.shape_cast %get3A_26 : vector<1x96x3136xf32> to vector<96x3136xf32>
    %get3A_28 = arith.constant 1 : index
    %get3A_29 = arith.constant 0 : index
    %get3A_30 = arith.constant 0 : index
    %get3A_31 = vector.load %arg1[%get3A_28, %get3A_29, %get3A_30] : memref<2x3136x10xf32, #tpu.memory_space<vmem>>, vector<1x3136x10xf32>
    %get3A_32 = vector.shape_cast %get3A_31 : vector<1x3136x10xf32> to vector<3136x10xf32>
    %dot_general3A_33 = arith.constant dense<0.000000e+00> : vector<96x10xf32>
    %dot_general3A_34 = tpu.matmul %get3A_27, %get3A_32, %dot_general3A_33 {dimension_numbers = #tpu.dot_dimension_numbers<[1], [0], [0], [1], [0, 0, 1, 1], [], []>, transpose_lhs_hint = false} : vector<96x3136xf32>, vector<3136x10xf32>, vector<96x10xf32> -> vector<96x10xf32>
    %add3A = arith.addf %dot_general3A_22, %dot_general3A_34 : vector<96x10xf32>
    %broadcast_in_dim3A_35 = vector.shape_cast %div3A_7 : vector<10xf32> to vector<1x10xf32>
    %mul3A = vector.broadcast %broadcast_in_dim3A_35 : vector<1x10xf32> to vector<96x10xf32>
    %mul3A_36 = arith.mulf %add3A, %mul3A : vector<96x10xf32>
    %swap3A_37 = arith.constant 0 : index
    %swap3A_38 = arith.constant 0 : index
    %swap3A_39 = arith.constant 0 : index
    %swap3A_40 = vector.load %arg7[%swap3A_37, %swap3A_38, %swap3A_39] : memref<3x384x10xf32, #tpu.memory_space<vmem>>, vector<1x96x10xf32>
    %swap3A_41 = vector.shape_cast %swap3A_40 : vector<1x96x10xf32> to vector<96x10xf32>
    %swap3A_42 = vector.shape_cast %mul3A_36 : vector<96x10xf32> to vector<1x96x10xf32>
    tpu.vector_store %arg7[%swap3A_37, %swap3A_38, %swap3A_39], %swap3A_42 {strides = array<i32>} : memref<3x384x10xf32, #tpu.memory_space<vmem>>, vector<1x96x10xf32>,
    %get3A_43 = arith.constant 0 : index
    %get3A_44 = arith.constant 0 : index
    %get3A_45 = arith.constant 0 : index
    %get3A_46 = vector.load %arg2[%get3A_43, %get3A_44, %get3A_45] : memref<2x192x784xf32, #tpu.memory_space<vmem>>, vector<1x192x784xf32>
    %get3A_47 = vector.shape_cast %get3A_46 : vector<1x192x784xf32> to vector<192x784xf32>
    %get3A_48 = arith.constant 0 : index
    %get3A_49 = arith.constant 0 : index
    %get3A_50 = arith.constant 0 : index
    %get3A_51 = vector.load %arg3[%get3A_48, %get3A_49, %get3A_50] : memref<2x784x10xf32, #tpu.memory_space<vmem>>, vector<1x784x10xf32>
    %get3A_52 = vector.shape_cast %get3A_51 : vector<1x784x10xf32> to vector<784x10xf32>
    %dot_general3A_53 = arith.constant dense<0.000000e+00> : vector<192x10xf32>
    %dot_general3A_54 = tpu.matmul %get3A_47, %get3A_52, %dot_general3A_53 {dimension_numbers = #tpu.dot_dimension_numbers<[1], [0], [0], [1], [0, 0, 1, 1], [], []>, transpose_lhs_hint = false} : vector<192x784xf32>, vector<784x10xf32>, vector<192x10xf32> -> vector<192x10xf32>
    %get3A_55 = arith.constant 1 : index
    %get3A_56 = arith.constant 0 : index
    %get3A_57 = arith.constant 0 : index
    %get3A_58 = vector.load %arg2[%get3A_55, %get3A_56, %get3A_57] : memref<2x192x784xf32, #tpu.memory_space<vmem>>, vector<1x192x784xf32>
    %get3A_59 = vector.shape_cast %get3A_58 : vector<1x192x784xf32> to vector<192x784xf32>
    %get3A_60 = arith.constant 1 : index
    %get3A_61 = arith.constant 0 : index
    %get3A_62 = arith.constant 0 : index
    %get3A_63 = vector.load %arg3[%get3A_60, %get3A_61, %get3A_62] : memref<2x784x10xf32, #tpu.memory_space<vmem>>, vector<1x784x10xf32>
    %get3A_64 = vector.shape_cast %get3A_63 : vector<1x784x10xf32> to vector<784x10xf32>
    %dot_general3A_65 = arith.constant dense<0.000000e+00> : vector<192x10xf32>
    %dot_general3A_66 = tpu.matmul %get3A_59, %get3A_64, %dot_general3A_65 {dimension_numbers = #tpu.dot_dimension_numbers<[1], [0], [0], [1], [0, 0, 1, 1], [], []>, transpose_lhs_hint = false} : vector<192x784xf32>, vector<784x10xf32>, vector<192x10xf32> -> vector<192x10xf32>
    %add3A_67 = arith.addf %dot_general3A_54, %dot_general3A_66 : vector<192x10xf32>
    %broadcast_in_dim3A_68 = vector.shape_cast %div3A_7 : vector<10xf32> to vector<1x10xf32>
    %mul3A_69 = vector.broadcast %broadcast_in_dim3A_68 : vector<1x10xf32> to vector<192x10xf32>
    %mul3A_70 = arith.mulf %add3A_67, %mul3A_69 : vector<192x10xf32>
    %swap3A_71 = arith.constant 1 : index
    %swap3A_72 = arith.constant 0 : index
    %swap3A_73 = arith.constant 0 : index
    %swap3A_74 = vector.load %arg7[%swap3A_71, %swap3A_72, %swap3A_73] : memref<3x384x10xf32, #tpu.memory_space<vmem>>, vector<1x192x10xf32>
    %swap3A_75 = vector.shape_cast %swap3A_74 : vector<1x192x10xf32> to vector<192x10xf32>
    %swap3A_76 = vector.shape_cast %mul3A_70 : vector<192x10xf32> to vector<1x192x10xf32>
    tpu.vector_store %arg7[%swap3A_71, %swap3A_72, %swap3A_73], %swap3A_76 {strides = array<i32>} : memref<3x384x10xf32, #tpu.memory_space<vmem>>, vector<1x192x10xf32>,
    %get3A_77 = arith.constant 0 : index
    %get3A_78 = arith.constant 0 : index
    %get3A_79 = arith.constant 0 : index
    %get3A_80 = vector.load %arg4[%get3A_77, %get3A_78, %get3A_79] : memref<2x384x196xf32, #tpu.memory_space<vmem>>, vector<1x384x196xf32>
    %get3A_81 = vector.shape_cast %get3A_80 : vector<1x384x196xf32> to vector<384x196xf32>
    %get3A_82 = arith.constant 0 : index
    %get3A_83 = arith.constant 0 : index
    %get3A_84 = arith.constant 0 : index
    %get3A_85 = vector.load %arg5[%get3A_82, %get3A_83, %get3A_84] : memref<2x196x10xf32, #tpu.memory_space<vmem>>, vector<1x196x10xf32>
    %get3A_86 = vector.shape_cast %get3A_85 : vector<1x196x10xf32> to vector<196x10xf32>
    %dot_general3A_87 = arith.constant dense<0.000000e+00> : vector<384x10xf32>
    %dot_general3A_88 = tpu.matmul %get3A_81, %get3A_86, %dot_general3A_87 {dimension_numbers = #tpu.dot_dimension_numbers<[1], [0], [0], [1], [0, 0, 1, 1], [], []>, transpose_lhs_hint = false} : vector<384x196xf32>, vector<196x10xf32>, vector<384x10xf32> -> vector<384x10xf32>
    %get3A_89 = arith.constant 1 : index
    %get3A_90 = arith.constant 0 : index
    %get3A_91 = arith.constant 0 : index
    %get3A_92 = vector.load %arg4[%get3A_89, %get3A_90, %get3A_91] : memref<2x384x196xf32, #tpu.memory_space<vmem>>, vector<1x384x196xf32>
    %get3A_93 = vector.shape_cast %get3A_92 : vector<1x384x196xf32> to vector<384x196xf32>
    %get3A_94 = arith.constant 1 : index
    %get3A_95 = arith.constant 0 : index
    %get3A_96 = arith.constant 0 : index
    %get3A_97 = vector.load %arg5[%get3A_94, %get3A_95, %get3A_96] : memref<2x196x10xf32, #tpu.memory_space<vmem>>, vector<1x196x10xf32>
    %get3A_98 = vector.shape_cast %get3A_97 : vector<1x196x10xf32> to vector<196x10xf32>
    %dot_general3A_99 = arith.constant dense<0.000000e+00> : vector<384x10xf32>
    %dot_general3A_100 = tpu.matmul %get3A_93, %get3A_98, %dot_general3A_99 {dimension_numbers = #tpu.dot_dimension_numbers<[1], [0], [0], [1], [0, 0, 1, 1], [], []>, transpose_lhs_hint = false} : vector<384x196xf32>, vector<196x10xf32>, vector<384x10xf32> -> vector<384x10xf32>
    %add3A_101 = arith.addf %dot_general3A_88, %dot_general3A_100 : vector<384x10xf32>
    %broadcast_in_dim3A_102 = vector.shape_cast %div3A_7 : vector<10xf32> to vector<1x10xf32>
    %mul3A_103 = vector.broadcast %broadcast_in_dim3A_102 : vector<1x10xf32> to vector<384x10xf32>
    %mul3A_104 = arith.mulf %add3A_101, %mul3A_103 : vector<384x10xf32>
    %swap3A_105 = arith.constant 2 : index
    %swap3A_106 = arith.constant 0 : index
    %swap3A_107 = arith.constant 0 : index
    %swap3A_108 = vector.load %arg7[%swap3A_105, %swap3A_106, %swap3A_107] : memref<3x384x10xf32, #tpu.memory_space<vmem>>, vector<1x384x10xf32>
    %swap3A_109 = vector.shape_cast %swap3A_108 : vector<1x384x10xf32> to vector<384x10xf32>
    %swap3A_110 = vector.shape_cast %mul3A_104 : vector<384x10xf32> to vector<1x384x10xf32>
    tpu.vector_store %arg7[%swap3A_105, %swap3A_106, %swap3A_107], %swap3A_110 {strides = array<i32>} : memref<3x384x10xf32, #tpu.memory_space<vmem>>, vector<1x384x10xf32>,
    return
  }
}

</mosaic_0001>

<sc_bundles>
// kernel: kernel.5.cloned.1.call-start
scs
__scs_entry_jumppad:
0x0: {  	(pc) =	sbr.rel $0x88, $3  }
0x1: {  	(tag) =	ssettag $0x0;
	lr =	simm.s32 $0x1  }
0x2: {  	[smem:$0x3F9D] =	sst lr;
	_ =	strace $0xD0000000  }
0x3: {  	_ = 	snop  }
0x4: {  	_ = 	snop  }
0x5: {  	_ = 	snop  }
0x6: {  	_ = 	snop  }
0x7: {  	_ = 	snop  }
__scs_overlays_trampoline_lowered:
0x8: {  	[smem:$0x3FAC] =	sst s0  }
0x9: {  	[smem:$0x3FAD] =	sst s1  }
0xa: {  	[smem:$0x3FAE] =	sst s2  }
0xb: {  	[smem:$0x3FAF] =	sst s3  }
0xc: {  	[smem:$0x3FB0] =	sst s4  }
0xd: {  	[smem:$0x3FB1] =	sst s5  }
0xe: {  	[smem:$0x3FB2] =	sst s6  }
0xf: {  	[smem:$0x3FB3] =	sst s7  }
0x10: {  	[smem:$0x3FB4] =	sst s8  }
0x11: {  	[smem:$0x3FB5] =	sst s9;
	s0 =	simm.s32 @!p0 $0x0  }
0x12: {  	s1 =	sld [smem:$0x3F9B];
	s0 =	simm.s32 @p0 $0x1  }
0x13: {  	[smem:$0x3FB6] =	sst s0;
	s0 =	simm.s32 @!p1 $0x0  }
0x14: {  	s2 =	sld [smem:$0x3F9A];
	s0 =	simm.s32 @p1 $0x1  }
0x15: {  	[smem:$0x3FB7] =	sst s0;
	s0 =	simm.s32 @!p2 $0x0  }
0x16: {  	s3 =	sld [smem:$0x3FDB];
	s0 =	simm.s32 @p2 $0x1  }
0x17: {  	s4 =	simm.s32 $0x1BF5;
	[smem:$0x3FB9] =	sst s0  }
0x18: {  	s0 =	sld [smem:$0x3F9C];
	_ =	swait.ge [sflag:s4], $0x0  }
0x19: {  	s7 =	sld [smem:$0x3F9D]  }
0x1a: {  	s8 =	sadd.s32 $0xFFFFE003, lr  }
0x1b: {  	s9 =	sadd.s32 $0xFFFFFEF7, lr;
	s5 =	simm.s32 $0xFFFFFFFF;
	p2 =	slt.u32 s8, $0xFFFFF086  }
0x1c: {  	p1 =	slt.u32 s9, $0xF7A;
	s5 =	simm.s32 @!p2 $0x0  }
0x1d: {  	s5 =	simm.s32 @p1 $0x1;
	p0 =	seq.s32 s7, s2  }
0x1e: {  	s7 =	smul.u32 @!p0 $0xF7A, s2;
	p2 =	seq.s32 @!p0 s5, $0x0  }
0x1f: {  	s9 =	smul.u32 $0xF7A, s1;
	s8 =	simm.s32 @!p0 $0x1BF5;
	p2 =	por !p2, p0  }
0x20: {  	[sflag:s8] =	ssyncset.s32 @!p0 $0xFFFFF086;
	s6 =	sadd.s32 @!p0 s3, s7;
	s7 =	simm.s32 @!p0 $0x108  }
0x21: {  	s3 =	sadd.s32 s3, s9;
	s6 =	sadd.s32 @!p0 $0x88, s6;
	s7 =	simm.s32 @p2 $0x1082  }
0x22: {  	[simem:s7], [sflag:s8] =	dma.local @!p0 [hbm:s6], $0xF7A  }
0x23: {  	s9 =	sor.u32 $0xD0000000, s2;
	s6 =	simm.s32 $0x108;
	_ =	swait.ge @!p0 [sflag:s8], $0x0  }
0x24: {  	s3 =	sadd.s32 $0x88, s3;
	s6 =	simm.s32 @!p1 $0x1082;
	[sflag:s4] =	ssyncset.s32 $0xFFFFF086  }
0x25: {  	[simem:s6], [sflag:s4] =	dma.local [hbm:s3], $0xF7A  }
0x26: {  	[smem:$0x3F9D] =	sst s1;
	(tag) =	ssettag s2;
	_ =	strace s9  }
0x27: {  	s1 =	sld [smem:$0x3FAD]  }
0x28: {  	s2 =	sld [smem:$0x3FAE]  }
0x29: {  	s4 =	sld [smem:$0x3FB0]  }
0x2a: {  	p0 =	seq.s32 s5, $0x0;
	s5 =	sld [smem:$0x3FB1]  }
0x2b: {  	s6 =	sld [smem:$0x3FB2]  }
0x2c: {  	s7 =	sld [smem:$0x3FB3]  }
0x2d: {  	s3 =	simm.s32 $0x108;
	s8 =	sld [smem:$0x3FB4]  }
0x2e: {  	s3 =	simm.s32 @!p0 $0x1082;
	s9 =	sld [smem:$0x3FB5]  }
0x2f: {  	lr =	sadd.s32 s0, s3;
	s0 =	sld [smem:$0x3FAC]  }
0x30: {  	s3 =	sld [smem:$0x3FAF]  }
0x31: {  	[smem:$0x3FB8] =	sst s10  }
0x32: {  	s10 =	sld [smem:$0x3FB6];
	_ =	sdelay $0x3  }
0x33: {  	p0 =	seq.s32 s10, $0x1;
	s10 =	sld [smem:$0x3FB8];
	_ =	sdelay $0x3  }
0x34: {  	[smem:$0x3FB8] =	sst s10  }
0x35: {  	s10 =	sld [smem:$0x3FB7];
	_ =	sdelay $0x3  }
0x36: {  	p1 =	seq.s32 s10, $0x1;
	s10 =	sld [smem:$0x3FB8];
	_ =	sdelay $0x3  }
0x37: {  	[smem:$0x3FB8] =	sst s10  }
0x38: {  	s10 =	sld [smem:$0x3FB9]  }
0x39: {  	_ = 	snop;
	(pc) =	sbr.ind lr, $3  }
0x3a: {  	_ = 	snop  }
0x3b: {  	_ = 	snop  }
0x3c: {  	p2 =	seq.s32 s10, $0x1;
	s10 =	sld [smem:$0x3FB8]  }
0x3d: {  	_ =	shalt  }
0x3e: {  	_ =	shalt  }
0x3f: {  	_ =	shalt  }
0x40: {  	_ =	shalt  }
0x41: {  	_ =	shalt  }
0x42: {  	_ =	shalt  }
0x43: {  	_ =	shalt  }
0x44: {  	_ =	shalt  }
0x45: {  	_ =	shalt  }
0x46: {  	_ =	shalt  }
0x47: {  	_ =	shalt  }
0x48: {  	_ =	shalt  }
0x49: {  	_ =	shalt  }
0x4a: {  	_ =	shalt  }
0x4b: {  	_ =	shalt  }
0x4c: {  	_ =	shalt  }
0x4d: {  	_ =	shalt  }
0x4e: {  	_ =	shalt  }
0x4f: {  	_ =	shalt  }
0x50: {  	_ =	shalt  }
0x51: {  	_ =	shalt  }
0x52: {  	_ =	shalt  }
0x53: {  	_ =	shalt  }
0x54: {  	_ =	shalt  }
0x55: {  	_ =	shalt  }
0x56: {  	_ =	shalt  }
0x57: {  	_ =	shalt  }
0x58: {  	_ =	shalt  }
0x59: {  	_ =	shalt  }
0x5a: {  	_ =	shalt  }
0x5b: {  	_ =	shalt  }
0x5c: {  	_ =	shalt  }
0x5d: {  	_ =	shalt  }
0x5e: {  	_ =	shalt  }
0x5f: {  	_ =	shalt  }
0x60: {  	_ =	shalt  }
0x61: {  	_ =	shalt  }
0x62: {  	_ =	shalt  }
0x63: {  	_ =	shalt  }
0x64: {  	_ =	shalt  }
0x65: {  	_ =	shalt  }
0x66: {  	_ =	shalt  }
0x67: {  	_ =	shalt  }
0x68: {  	_ =	shalt  }
0x69: {  	_ =	shalt  }
0x6a: {  	_ =	shalt  }
0x6b: {  	_ =	shalt  }
0x6c: {  	_ =	shalt  }
0x6d: {  	_ =	shalt  }
0x6e: {  	_ =	shalt  }
0x6f: {  	_ =	shalt  }
0x70: {  	_ =	shalt  }
0x71: {  	_ =	shalt  }
0x72: {  	_ =	shalt  }
0x73: {  	_ =	shalt  }
0x74: {  	_ =	shalt  }
0x75: {  	_ =	shalt  }
0x76: {  	_ =	shalt  }
0x77: {  	_ =	shalt  }
0x78: {  	_ =	shalt  }
0x79: {  	_ =	shalt  }
0x7a: {  	_ =	shalt  }
0x7b: {  	_ =	shalt  }
0x7c: {  	_ =	shalt  }
0x7d: {  	_ =	shalt  }
0x7e: {  	_ =	shalt  }
0x7f: {  	_ =	shalt  }
0x80: {  	_ =	shalt  }
0x81: {  	_ =	shalt  }
0x82: {  	_ =	shalt  }
0x83: {  	_ =	shalt  }
0x84: {  	_ =	shalt  }
0x85: {  	_ =	shalt  }
0x86: {  	_ =	shalt  }
0x87: {  	_ =	shalt  }
.Lfunc_end0:
.L_simem_size_0:
called_computation_lowered:
.L_overlay_start_0:
0x88: {  	s2 =	sld [smem:$0x3FD9]  }
0x89: {  	s3 =	sld [smem:$0x3FFE];
	_ =	sdelay $0x1  }
0x8a: {  	s1 =	srdreg.scid  }
0x8b: {  	s0 =	sand.u32 $0x1, s1  }
0x8c: {  	s17 =	sshll.u32 s0, $0xA;
	s2 =	sadd.s32 s3, s2  }
0x8d: {  	s2 =	sadd.s32 s2, s17  }
0x8e: {  	[smem:$0x3FC4] =	sst s2  }
0x8f: {  	_ = 	snop  }
0x90: {  	s2 =	sld [smem:$0x3FD0];
	(tm) =	ssettm $0x1  }
0x91: {  	s18 =	sld [smem:$0x3FFB];
	_ =	sdelay $0x3  }
0x92: {  	_ =	strace s18  }
0x93: {  	s3 =	sld [smem:$0x3FFC];
	_ =	sdelay $0x3  }
0x94: {  	_ =	strace s3  }
0x95: {  	s3 =	sld [smem:$0x3FFD];
	_ =	sdelay $0x3  }
0x96: {  	_ =	strace s3  }
0x97: {  	_ =	strace $0x8FFFFFFF  }
0x98: {  	s19 =	sld [smem:$0x3FDB];
	_ =	sdelay $0x1  }
0x99: {  	s4 =	simm.s32 $_scs_section_size  }
0x9a: {  	s5 =	simm.s32 $_size__tile_overlayer_lowered;
	s6 =	simm.s32 $_tile_overlayer_lowered  }
0x9b: {  	s22 =	simm.s32 $0x1BFF;
	s21 =	sshll.u32 s6, $0x1;
	s3 =	sadd.s32 s4, s19  }
0x9c: {  	s7 =	simm.s32 $0x0;
	s20 =	sshll.u32 s5, $0x1;
	s5 =	sadd.s32 s21, s3  }
0x9d: {  	[timem:s7], [sflag:s22] =	dma.local [hbm:s5], s20  }
0x9e: {  	_ =	swait.ge [sflag:s22], s20  }
0x9f: {  	s4 =	ssub.s32 $0x0, s20;
	[sflag:s22] =	ssyncset.done $0x0  }
0xa0: {  	[sflag:s22] =	ssyncadd.s32 s4;
	_ =	sdelay $0x1  }
0xa1: {  	s23 =	simm.s32 $0x1B8B  }
0xa2: {  	_ =	swait.ge [sflag:s23], $0x1  }
0xa3: {  	[sflag:s23] =	ssyncset.done $0x0  }
0xa4: {  	s25 =	simm.s32 $0x1B8E;
	s24 =	sld [smem:$0x3FFE];
	[sflag:s23] =	ssyncadd.s32 $0xFFFFFFFF  }
0xa5: {  	s26 =	simm.s32 $execute0_lowered;
	[smem:$0x3FD2] =	sst s25  }
0xa6: {  	s5 =	sshll.u32 s26, $0x1;
	_ =	strace $0x80000046;
	[dreg:$0x1] =	wrdreg $0xFFFFFFFF  }
0xa7: {  	s28 =	simm.s32 $_size_execute0_lowered;
	s3 =	sadd.s32 s3, s5;
	[dreg:$0x0] =	wrdreg $0x0  }
0xa8: {  	s5 =	sshll.u32 s28, $0x1;
	[dreg:$0x2] =	wrdreg s3  }
0xa9: {  	[dreg:$0x3] =	wrdreg s5  }
0xaa: {  	[dreg:$0x4] =	wrdreg $0xC0  }
0xab: {  	_ =	task [dreg:s7], $0x5FFFF  }
0xac: {  	[dreg:$0x1] =	wrdreg $0xFFFFFFFF  }
0xad: {  	[dreg:$0x0] =	wrdreg $0x60  }
0xae: {  	[dreg:$0x2] =	wrdreg s24  }
0xaf: {  	[dreg:$0x3] =	wrdreg s2  }
0xb0: {  	[dreg:$0x4] =	wrdreg $0x9  }
0xb1: {  	_ =	task.clear_ibuf [dreg:s7], $0x5FFFF;
	_ =	strace $0x90000046  }
0xb2: {  	s29 =	simm.s32 $0x9;
	_ =	strace $0x80000048  }
0xb3: {  	_ =	swait.ge [sflag:s29], $0x1  }
0xb4: {  	[sflag:s29] =	ssyncadd.s32 $0xFFFFFFFF  }
0xb5: {  	_ =	strace $0x90000048  }
0xb6: {  	_ =	sfence  }
0xb7: {  	s30 =	sld [smem:$0x0];
	_ =	sdelay $0x2  }
0xb8: {  	s31 =	sshll.u32 s1, $0xD;
	s1 =	sshrl.u32 s1, $0x2  }
0xb9: {  	s3 =	sand.u32 $0x4000, s31;
	s1 =	sadd.s32 s1, s30  }
0xba: {  	s0 =	sor.u32 s3, s0;
	s1 =	sshll.u32 s1, $0x11  }
0xbb: {  	s0 =	sor.u32 s1, s0  }
0xbc: {  	s0 =	sadd.s32 $0x8F2B, s0  }
0xbd: {  	[sflag:s0] =	ssyncadd.remote.s32 $0x1  }
0xbe: {  	_ =	sfence.sel $0xFFFF  }
0xbf: {  	[dreg:$0x0] =	wrdreg $0xFFFFFFFF;
	(pc) =	sbr.abs _section_cstart, $3  }
0xc0: {  	[dreg:$0x1] =	wrdreg $0xFFFFFFFF  }
0xc1: {  	_ =	task.clear_ibuf [dreg:s7], $0x2FFFF;
	_ =	strace $0x9FFFFFFF  }
0xc2: {  	(tm) =	ssettm $0x7FFFFFFF  }
0xc3: {  	_ =	shalt  }
tec
execute0_lowered:
.L_overlay_start_1:
0x0: {  	(tag) =	ssettag $0x1  }
0x1: {  	s4 =	rddreg [dreg:$0x0];
	s1 =	srdreg.scid  }
0x2: {  	s0 =	stileid.u32;
	s2 =	rddreg [dreg:$0x1]  }
0x3: {  	s3 =	simm.s32 $0x0;
	s9 =	simm.s32 $0x1480;
	s10 =	simm.s32 $0x0  }
0x4: {  	s5 =	sand.u32 $0x1, s1;
	s6 =	sshll.u32 s0, $0x1;
	s1 =	rddreg [dreg:$0x2]  }
0x5: {  	[smem:$0x7FF] =	sst s3;
	s6 =	sor.u32 s5, s6;
	s5 =	ssub.s32 $0x2, s5  }
0x6: {  	s7 =	smul.u32 $0x188, s6;
	s6 =	sshll.u32 s6, $0x8;
	s8 =	sshrl.u32 s5, $0x1  }
0x7: {  	_ =	strace $0x80000047;
	s6 =	sadd.s32 s6, s4;
	s8 =	ssub.s32 s5, s8  }
0x8: {  	s7 =	sadd.s32 s7, s4;
	s5 =	sadd.s32 $0x5000, s6;
	s6 =	smax.u32 s8, $0x1  }
0x9: {  	v0 =	vimm.f32 $0.0e+00;
	s8 =	simm.s32 $0xC80;
	s4 =	sadd.s32 $0x1E00, s7;
	s7 =	simm.s32 $0x1  }
.LBB2_1:
0xa: {  	[tilespmem:s3], [sflag:$0x1] =	stream.linear.gather [hbm4b:s4+s3], $0xC40, $0x38;
	[tilespmem:$0x1C80] =	vst v63  }
0xb: {  	_ =	swait.ge [sflag:s7], $0xC40  }
0xc: {  	[sflag:s7] =	ssyncset.done $0x0  }
0xd: {  	[sflag:s7] =	ssyncadd.s32 $0xFFFFF3C0  }
0xe: {  	[tilespmem:s8], [sflag:$0x1] =	stream.linear.gather [hbm4b:s2+s3], $0x800, $0x38;
	[tilespmem:$0x1C80] =	vst v63  }
0xf: {  	_ =	swait.ge [sflag:s7], $0x800  }
0x10: {  	[sflag:s7] =	ssyncset.done $0x0  }
0x11: {  	[sflag:s7] =	ssyncadd.s32 $0xFFFFF800  }
0x12: {  	v1 =	vld [tilespmem:$0xD00]  }
0x13: {  	v2 =	vld [tilespmem:$0xD80]  }
0x14: {  	v3 =	vld [tilespmem:$0xE00]  }
0x15: {  	v4 =	vld [tilespmem:$0xE80]  }
0x16: {  	s11 =	simm.s32 $0x40;
	v5 =	vld [tilespmem:$0xF00]  }
0x17: {  	v10 =	vld [tilespmem:s11+$0x30]  }
0x18: {  	v8 =	vld [tilespmem:$0x1080]  }
0x19: {  	v12 =	vld [tilespmem:s11+$0x20]  }
0x1a: {  	v9 =	vld [tilespmem:$0x1100]  }
0x1b: {  	v26 =	vld [tilespmem:s11+$0xFFFFFFC0]  }
0x1c: {  	v7 =	vld [tilespmem:$0x1000]  }
0x1d: {  	v17 =	vld [tilespmem:s11+$0xFFFFFFD0];
	vm0 =	vge.f32 v10, v1  }
0x1e: {  	v6 =	vld [tilespmem:$0xF80];
	vm1 =	vge.f32 v10, v2;
	vm2 =	vge.f32 v10, v3;
	vm3 =	vge.f32 v10, v4  }
0x1f: {  	vm4 =	vge.f32 v10, v5;
	vm5 =	vge.f32 v12, v8;
	vm14 =	vge.f32 v12, v9  }
0x20: {  	v18 =	vld [tilespmem:s11+$0xFFFFFFE0];
	v31 =	vsel vm0, $0x3F800000, v0;
	vm0 =	vge.f32 v26, v1;
	v15 =	vsel vm1, $0x3F800000, v0  }
0x21: {  	vm1 =	vge.f32 v10, v7;
	v23 =	vsel vm2, $0x3F800000, v0;
	vm2 =	vge.f32 v12, v1  }
0x22: {  	v16 =	vsel vm3, $0x3F800000, v0;
	vm3 =	vge.f32 v17, v1;
	v24 =	vsel vm4, $0x3F800000, v0  }
0x23: {  	vm4 =	vge.f32 v10, v8;
	v32 =	vsel vm0, $0x3F800000, v0;
	vm0 =	vge.f32 v10, v6  }
0x24: {  	v21 =	vld [tilespmem:s11+$0x10];
	v33 =	vsel vm3, $0x3F800000, v0;
	vm3 =	vge.f32 v10, v9;
	v11 =	vsel vm1, $0x3F800000, v0  }
0x25: {  	v25 =	vld [tilespmem:s11+$0xFFFFFFF0];
	vm1 =	vge.f32 v12, v3;
	v34 =	vsel vm2, $0x3F800000, v0;
	vm2 =	vge.f32 v18, v1  }
0x26: {  	v10 =	vsel vm0, $0x3F800000, v0;
	vm0 =	vge.f32 v12, v2;
	v35 =	vsel vm2, $0x3F800000, v0  }
0x27: {  	vm2 =	vge.f32 v12, v5;
	v29 =	vsel vm1, $0x3F800000, v0;
	vm1 =	vge.f32 v12, v6  }
0x28: {  	v22 =	vld [tilespmem:s11+$0x0];
	v32 =	vadd.f32 v32, v0;
	v27 =	vsel vm0, $0x3F800000, v0;
	vm0 =	vge.f32 v12, v4  }
0x29: {  	v30 =	vsel vm2, $0x3F800000, v0;
	vm2 =	vge.f32 v21, v1;
	v13 =	vsel vm1, $0x3F800000, v0  }
0x2a: {  	vm1 =	vge.f32 v25, v1;
	v28 =	vsel vm0, $0x3F800000, v0;
	vm0 =	vge.f32 v12, v7  }
0x2b: {  	v36 =	vsel vm1, $0x3F800000, v0;
	v37 =	vsel vm2, $0x3F800000, v0;
	vm1 =	vge.f32 v21, v2  }
0x2c: {  	v32 =	vadd.f32 v33, v32;
	v14 =	vsel vm0, $0x3F800000, v0;
	vm0 =	vge.f32 v21, v3  }
0x2d: {  	v38 =	vsel vm1, $0x3F800000, v0;
	vm1 =	vge.f32 v22, v1;
	v39 =	vsel vm0, $0x3F800000, v0  }
0x2e: {  	vm0 =	vge.f32 v21, v4;
	v40 =	vsel vm1, $0x3F800000, v0;
	vm1 =	vge.f32 v21, v5  }
0x2f: {  	v32 =	vadd.f32 v35, v32;
	v41 =	vsel vm0, $0x3F800000, v0;
	vm0 =	vge.f32 v21, v6  }
0x30: {  	v42 =	vsel vm1, $0x3F800000, v0;
	vm1 =	vge.f32 v21, v7;
	v19 =	vsel vm0, $0x3F800000, v0  }
0x31: {  	vm0 =	vge.f32 v22, v2;
	v20 =	vsel vm1, $0x3F800000, v0;
	vm1 =	vge.f32 v22, v3  }
0x32: {  	v32 =	vadd.f32 v36, v32;
	v43 =	vsel vm0, $0x3F800000, v0;
	vm0 =	vge.f32 v22, v4  }
0x33: {  	v44 =	vsel vm1, $0x3F800000, v0;
	vm1 =	vge.f32 v22, v5;
	v45 =	vsel vm0, $0x3F800000, v0  }
0x34: {  	vm0 =	vge.f32 v22, v6;
	v46 =	vsel vm1, $0x3F800000, v0;
	vm1 =	vge.f32 v25, v2  }
0x35: {  	v32 =	vadd.f32 v40, v32;
	v48 =	vsel vm1, $0x3F800000, v0;
	vm1 =	vge.f32 v25, v3  }
0x36: {  	v47 =	vsel vm0, $0x3F800000, v0;
	vm0 =	vge.f32 v22, v7;
	v49 =	vsel vm1, $0x3F800000, v0  }
0x37: {  	vm1 =	vge.f32 v18, v2;
	v33 =	vsel vm0, $0x3F800000, v0;
	vm0 =	vge.f32 v18, v3  }
0x38: {  	v32 =	vadd.f32 v37, v32;
	v50 =	vsel vm1, $0x3F800000, v0;
	vm1 =	vge.f32 v26, v2  }
0x39: {  	v35 =	vsel vm0, $0x3F800000, v0;
	vm0 =	vge.f32 v17, v2;
	v51 =	vsel vm1, $0x3F800000, v0  }
0x3a: {  	vm1 =	vge.f32 v17, v3;
	v52 =	vsel vm0, $0x3F800000, v0;
	vm0 =	vge.f32 v26, v3  }
0x3b: {  	v12 =	vadd.f32 v34, v32;
	v36 =	vsel vm1, $0x3F800000, v0;
	vm1 =	vge.f32 v26, v4  }
0x3c: {  	v53 =	vsel vm0, $0x3F800000, v0;
	vm0 =	vge.f32 v26, v5;
	v61 =	vadd.f32 v51, v0  }
0x3d: {  	v60 =	vsel vm1, $0x3F800000, v0;
	vm1 =	vge.f32 v18, v4;
	v54 =	vsel vm0, $0x3F800000, v0  }
0x3e: {  	vm0 =	vge.f32 v17, v4;
	v63 =	vadd.f32 v53, v0;
	v12 =	vadd.f32 v31, v12  }
0x3f: {  	v55 =	vsel vm0, $0x3F800000, v0;
	vm0 =	vge.f32 v17, v5;
	v57 =	vadd.f32 v52, v61  }
0x40: {  	v56 =	vsel vm1, $0x3F800000, v0;
	v40 =	vadd.f32 v60, v0;
	v60 =	vadd.f32 v54, v0  }
0x41: {  	v37 =	vsel vm0, $0x3F800000, v0;
	vm0 =	vge.f32 v18, v5;
	v36 =	vadd.f32 v36, v63  }
0x42: {  	v62 =	vsel vm0, $0x3F800000, v0;
	vm0 =	vge.f32 v25, v4;
	v40 =	vadd.f32 v55, v40  }
0x43: {  	v37 =	vadd.f32 v37, v60;
	v58 =	vsel vm0, $0x3F800000, v0;
	vm0 =	vge.f32 v25, v5  }
0x44: {  	v31 =	vadd.f32 v50, v57;
	v35 =	vadd.f32 v35, v36;
	v59 =	vsel vm0, $0x3F800000, v0  }
0x45: {  	vm0 =	vge.f32 v25, v6;
	v40 =	vadd.f32 v56, v40;
	v34 =	vadd.f32 v62, v37  }
0x46: {  	v31 =	vadd.f32 v48, v31;
	v53 =	vsel vm0, $0x3F800000, v0;
	vm0 =	vge.f32 v25, v7  }
0x47: {  	v35 =	vadd.f32 v49, v35;
	v52 =	vsel vm0, $0x3F800000, v0;
	vm0 =	vge.f32 v18, v6  }
0x48: {  	v32 =	vadd.f32 v58, v40;
	v50 =	vsel vm0, $0x3F800000, v0;
	vm0 =	vge.f32 v18, v7  }
0x49: {  	v34 =	vadd.f32 v59, v34;
	v36 =	vsel vm0, $0x3F800000, v0;
	vm0 =	vge.f32 v17, v6  }
0x4a: {  	v44 =	vadd.f32 v44, v35;
	v54 =	vsel vm0, $0x3F800000, v0;
	vm0 =	vge.f32 v17, v7  }
0x4b: {  	v32 =	vadd.f32 v45, v32;
	v37 =	vsel vm0, $0x3F800000, v0;
	vm0 =	vge.f32 v26, v6  }
0x4c: {  	v34 =	vadd.f32 v46, v34;
	v61 =	vsel vm0, $0x3F800000, v0;
	vm0 =	vge.f32 v26, v7  }
0x4d: {  	v55 =	vadd.f32 v41, v32;
	v62 =	vsel vm0, $0x3F800000, v0;
	vm0 =	vge.f32 v26, v8  }
0x4e: {  	v63 =	vsel vm0, $0x3F800000, v0;
	vm0 =	vge.f32 v26, v9;
	v26 =	vadd.f32 v43, v31  }
0x4f: {  	v56 =	vadd.f32 v42, v34;
	v28 =	vadd.f32 v28, v55  }
0x50: {  	v45 =	vsel vm0, $0x3F800000, v0;
	vm0 =	vge.f32 v17, v8;
	v26 =	vadd.f32 v38, v26  }
0x51: {  	v51 =	vsel vm0, $0x3F800000, v0;
	vm0 =	vge.f32 v17, v9;
	v17 =	vadd.f32 v39, v44  }
0x52: {  	v58 =	vadd.f32 v30, v56;
	v60 =	vadd.f32 v45, v0;
	v57 =	vsel vm0, $0x3F800000, v0  }
0x53: {  	vm0 =	vge.f32 v18, v8;
	v26 =	vadd.f32 v27, v26;
	v17 =	vadd.f32 v29, v17  }
0x54: {  	v27 =	vsel vm0, $0x3F800000, v0;
	vm0 =	vge.f32 v18, v9;
	v29 =	vadd.f32 v57, v60  }
0x55: {  	v18 =	vadd.f32 v15, v26;
	v15 =	vadd.f32 v23, v17;
	v23 =	vsel vm0, $0x3F800000, v0  }
0x56: {  	vm0 =	vge.f32 v25, v8;
	v17 =	vadd.f32 v16, v28;
	v16 =	vadd.f32 v24, v58  }
0x57: {  	v24 =	vadd.f32 v61, v0;
	v26 =	vadd.f32 v62, v0;
	v59 =	vsel vm0, $0x3F800000, v0  }
0x58: {  	vm0 =	vge.f32 v25, v9;
	v25 =	vadd.f32 v63, v0;
	v23 =	vadd.f32 v23, v29  }
0x59: {  	v24 =	vadd.f32 v54, v24;
	v26 =	vadd.f32 v37, v26  }
0x5a: {  	v61 =	vsel vm0, $0x3F800000, v0;
	vm0 =	vge.f32 v22, v8;
	v25 =	vadd.f32 v51, v25  }
0x5b: {  	v62 =	vsel vm0, $0x3F800000, v0;
	v24 =	vadd.f32 v50, v24;
	v26 =	vadd.f32 v36, v26  }
0x5c: {  	vm0 =	vge.f32 v22, v9;
	v63 =	vadd.f32 v61, v23;
	v22 =	vadd.f32 v27, v25  }
0x5d: {  	v24 =	vadd.f32 v53, v24;
	v25 =	vadd.f32 v52, v26  }
0x5e: {  	v26 =	vsel vm0, $0x3F800000, v0;
	vm0 =	vge.f32 v21, v8;
	v27 =	vadd.f32 v59, v22  }
0x5f: {  	v23 =	vadd.f32 v47, v24;
	v22 =	vadd.f32 v33, v25;
	v24 =	vsel vm0, $0x3F800000, v0  }
0x60: {  	s12 =	simm.s32 $0xC0;
	s11 =	simm.s32 $0x0;
	vm0 =	vge.f32 v21, v9;
	v21 =	vadd.f32 v26, v63;
	v25 =	vadd.f32 v62, v27  }
.LBB2_2:
0x61: {  	v26 =	vld [tilespmem:s12+$0x30]  }
0x62: {  	v20 =	vadd.f32 v20, v22  }
0x63: {  	v19 =	vadd.f32 v19, v23;
	v22 =	vsel vm0, $0x3F800000, v0;
	v23 =	vadd.f32 v24, v25  }
0x64: {  	v21 =	vadd.f32 v22, v21;
	v22 =	vsel vm5, $0x3F800000, v0;
	v14 =	vadd.f32 v14, v20  }
0x65: {  	v23 =	vadd.f32 v22, v23  }
0x66: {  	v22 =	vadd.f32 v11, v14;
	vm0 =	vge.f32 v26, v1;
	v11 =	vimm.s32 $0x0  }
0x67: {  	v11 =	vsel vm0, $0xFFFFFFFF, v11  }
0x68: {  	vm0 =	vge.f32 v26, v2;
	[tilespmem:$0x1FC70] =	vst v11;
	v11 =	vimm.s32 $0x0  }
0x69: {  	v11 =	vsel vm0, $0xFFFFFFFF, v11  }
0x6a: {  	vm0 =	vge.f32 v26, v3;
	[tilespmem:$0x1FC80] =	vst v11;
	v11 =	vimm.s32 $0x0  }
0x6b: {  	v11 =	vsel vm0, $0xFFFFFFFF, v11  }
0x6c: {  	vm0 =	vge.f32 v26, v4;
	[tilespmem:$0x1FC90] =	vst v11;
	v11 =	vimm.s32 $0x0  }
0x6d: {  	v11 =	vsel vm0, $0xFFFFFFFF, v11  }
0x6e: {  	vm0 =	vge.f32 v26, v5;
	[tilespmem:$0x1FCA0] =	vst v11;
	v11 =	vimm.s32 $0x0  }
0x6f: {  	v20 =	vld [tilespmem:s12+$0x20];
	v11 =	vsel vm0, $0xFFFFFFFF, v11  }
0x70: {  	vm0 =	vge.f32 v26, v6;
	[tilespmem:$0x1FCB0] =	vst v11;
	v11 =	vimm.s32 $0x0  }
0x71: {  	v11 =	vsel vm0, $0xFFFFFFFF, v11  }
0x72: {  	vm0 =	vge.f32 v26, v7;
	[tilespmem:$0x1FCC0] =	vst v11;
	v11 =	vimm.s32 $0x0  }
0x73: {  	v11 =	vsel vm0, $0xFFFFFFFF, v11  }
0x74: {  	vm0 =	vge.f32 v20, v1;
	[tilespmem:$0x1FCD0] =	vst v11;
	v11 =	vimm.s32 $0x0  }
0x75: {  	v13 =	vadd.f32 v13, v19;
	v11 =	vsel vm0, $0xFFFFFFFF, v11  }
0x76: {  	v19 =	vsel vm14, $0x3F800000, v0;
	vm0 =	vge.f32 v26, v8;
	[tilespmem:$0x1FCE0] =	vst v11;
	v11 =	vimm.s32 $0x0  }
0x77: {  	v19 =	vadd.f32 v19, v21;
	v11 =	vsel vm0, $0xFFFFFFFF, v11  }
0x78: {  	v21 =	vadd.f32 v10, v13;
	vm0 =	vge.f32 v26, v9;
	[tilespmem:$0x1FE60] =	vst v11;
	v11 =	vimm.s32 $0x0  }
0x79: {  	v13 =	vimm.s32 $0x0;
	v11 =	vsel vm0, $0xFFFFFFFF, v11;
	vm0 =	vge.f32 v20, v2  }
0x7a: {  	v13 =	vsel vm0, $0xFFFFFFFF, v13  }
0x7b: {  	vm0 =	vge.f32 v20, v3;
	[tilespmem:$0x1FCF0] =	vst v13;
	v13 =	vimm.s32 $0x0  }
0x7c: {  	v13 =	vsel vm0, $0xFFFFFFFF, v13  }
0x7d: {  	vm0 =	vge.f32 v20, v4;
	[tilespmem:$0x1FD00] =	vst v13;
	v13 =	vimm.s32 $0x0  }
0x7e: {  	v24 =	vsel vm4, $0x3F800000, v0;
	v13 =	vsel vm0, $0xFFFFFFFF, v13  }
0x7f: {  	v10 =	vsel vm3, $0x3F800000, v0;
	vm0 =	vge.f32 v20, v5;
	[tilespmem:$0x1FD10] =	vst v13;
	v13 =	vimm.s32 $0x0  }
0x80: {  	v23 =	vadd.f32 v24, v23;
	v24 =	vadd.f32 v10, v19;
	v10 =	vld [tilespmem:s12+$0x10];
	v13 =	vsel vm0, $0xFFFFFFFF, v13  }
0x81: {  	vm0 =	vge.f32 v20, v6;
	[tilespmem:$0x1FD20] =	vst v13;
	v13 =	vimm.s32 $0x0  }
0x82: {  	v13 =	vsel vm0, $0xFFFFFFFF, v13  }
0x83: {  	vm0 =	vge.f32 v20, v7;
	[tilespmem:$0x1FD30] =	vst v13;
	v13 =	vimm.s32 $0x0  }
0x84: {  	v13 =	vsel vm0, $0xFFFFFFFF, v13  }
0x85: {  	vm0 =	vge.f32 v10, v1;
	[tilespmem:$0x1FD50] =	vst v13;
	v13 =	vimm.s32 $0x0  }
0x86: {  	v13 =	vsel vm0, $0xFFFFFFFF, v13  }
0x87: {  	vm0 =	vge.f32 v20, v8;
	[tilespmem:$0x1FD40] =	vst v13;
	v13 =	vimm.s32 $0x0  }
0x88: {  	v14 =	vimm.s32 $0x0;
	v13 =	vsel vm0, $0xFFFFFFFF, v13;
	vm0 =	vge.f32 v10, v2  }
0x89: {  	v14 =	vsel vm0, $0xFFFFFFFF, v14  }
0x8a: {  	vm0 =	vge.f32 v10, v3;
	[tilespmem:$0x1FD60] =	vst v14;
	v14 =	vimm.s32 $0x0  }
0x8b: {  	v14 =	vsel vm0, $0xFFFFFFFF, v14  }
0x8c: {  	vm0 =	vge.f32 v10, v4;
	[tilespmem:$0x1FD70] =	vst v14;
	v14 =	vimm.s32 $0x0  }
0x8d: {  	v14 =	vsel vm0, $0xFFFFFFFF, v14  }
0x8e: {  	vm0 =	vge.f32 v10, v5;
	[tilespmem:$0x1FD90] =	vst v14;
	v14 =	vimm.s32 $0x0  }
0x8f: {  	[tilespmem:$0x1FE50] =	vst v11;
	v11 =	vld [tilespmem:s12+$0x0];
	v14 =	vsel vm0, $0xFFFFFFFF, v14  }
0x90: {  	vm0 =	vge.f32 v10, v6;
	[tilespmem:$0x1FDA0] =	vst v14;
	v14 =	vimm.s32 $0x0  }
0x91: {  	v14 =	vsel vm0, $0xFFFFFFFF, v14  }
0x92: {  	vm0 =	vge.f32 v10, v7;
	[tilespmem:$0x1FDB0] =	vst v14;
	v14 =	vimm.s32 $0x0  }
0x93: {  	v14 =	vsel vm0, $0xFFFFFFFF, v14  }
0x94: {  	vm0 =	vge.f32 v11, v1;
	[tilespmem:$0x1FDC0] =	vst v14;
	v14 =	vimm.s32 $0x0  }
0x95: {  	v14 =	vsel vm0, $0xFFFFFFFF, v14  }
0x96: {  	vm0 =	vge.f32 v10, v8;
	[tilespmem:$0x1FD80] =	vst v14;
	v14 =	vimm.s32 $0x0  }
0x97: {  	v14 =	vsel vm0, $0xFFFFFFFF, v14  }
0x98: {  	vm0 =	vge.f32 v11, v2;
	[tilespmem:$0x1FFF0] =	vst v14;
	v14 =	vimm.s32 $0x0  }
0x99: {  	v14 =	vsel vm0, $0xFFFFFFFF, v14  }
0x9a: {  	vm0 =	vge.f32 v11, v3;
	[tilespmem:$0x1FDD0] =	vst v14;
	v14 =	vimm.s32 $0x0  }
0x9b: {  	v14 =	vsel vm0, $0xFFFFFFFF, v14  }
0x9c: {  	vm0 =	vge.f32 v11, v4;
	[tilespmem:$0x1FDE0] =	vst v14;
	v14 =	vimm.s32 $0x0  }
0x9d: {  	v14 =	vsel vm0, $0xFFFFFFFF, v14  }
0x9e: {  	vm0 =	vge.f32 v11, v5;
	[tilespmem:$0x1FDF0] =	vst v14;
	v14 =	vimm.s32 $0x0  }
0x9f: {  	v14 =	vsel vm0, $0xFFFFFFFF, v14  }
0xa0: {  	vm0 =	vge.f32 v11, v6;
	[tilespmem:$0x1FE00] =	vst v14;
	v14 =	vimm.s32 $0x0  }
0xa1: {  	[tilespmem:$0x1FE70] =	vst v13;
	v13 =	vld [tilespmem:s12+$0xFFFFFFF0];
	v14 =	vsel vm0, $0xFFFFFFFF, v14  }
0xa2: {  	vm0 =	vge.f32 v11, v7;
	[tilespmem:$0x1FE10] =	vst v14;
	v14 =	vimm.s32 $0x0  }
0xa3: {  	v14 =	vsel vm0, $0xFFFFFFFF, v14  }
0xa4: {  	vm0 =	vge.f32 v11, v8;
	[tilespmem:$0x1FE40] =	vst v14;
	v14 =	vimm.s32 $0x0  }
0xa5: {  	v14 =	vsel vm0, $0xFFFFFFFF, v14;
	vm0 =	vge.f32 v11, v9;
	v11 =	vimm.s32 $0x0  }
0xa6: {  	[tilespmem:$0x1FFD0] =	vst v14;
	v11 =	vsel vm0, $0xFFFFFFFF, v11;
	vm0 =	vge.f32 v13, v2;
	v14 =	vimm.s32 $0x0  }
0xa7: {  	v14 =	vsel vm0, $0xFFFFFFFF, v14  }
0xa8: {  	vm0 =	vge.f32 v13, v3;
	[tilespmem:$0x1FE20] =	vst v14;
	v14 =	vimm.s32 $0x0  }
0xa9: {  	v14 =	vsel vm0, $0xFFFFFFFF, v14  }
0xaa: {  	vm0 =	vge.f32 v13, v4;
	[tilespmem:$0x1FE30] =	vst v14;
	v14 =	vimm.s32 $0x0  }
0xab: {  	v14 =	vsel vm0, $0xFFFFFFFF, v14  }
0xac: {  	vm0 =	vge.f32 v13, v5;
	[tilespmem:$0x1FEB0] =	vst v14;
	v14 =	vimm.s32 $0x0  }
0xad: {  	v14 =	vsel vm0, $0xFFFFFFFF, v14  }
0xae: {  	vm0 =	vge.f32 v13, v6;
	[tilespmem:$0x1FEC0] =	vst v14;
	v14 =	vimm.s32 $0x0  }
0xaf: {  	vm3 =	vge.f32 v10, v9;
	v10 =	vld [tilespmem:s12+$0xFFFFFFE0];
	v14 =	vsel vm0, $0xFFFFFFFF, v14  }
0xb0: {  	vm0 =	vge.f32 v13, v7;
	[tilespmem:$0x1FED0] =	vst v14;
	v14 =	vimm.s32 $0x0  }
0xb1: {  	v14 =	vsel vm0, $0xFFFFFFFF, v14  }
0xb2: {  	vm8 =	vge.f32 v13, v1;
	vm0 =	vge.f32 v13, v8;
	[tilespmem:$0x1FEE0] =	vst v14;
	v14 =	vimm.s32 $0x0  }
0xb3: {  	v14 =	vsel vm0, $0xFFFFFFFF, v14;
	vm0 =	vge.f32 v13, v9;
	v13 =	vimm.s32 $0x0  }
0xb4: {  	[tilespmem:$0x1FFB0] =	vst v14;
	v13 =	vsel vm0, $0xFFFFFFFF, v13;
	vm0 =	vge.f32 v10, v4;
	v14 =	vimm.s32 $0x0  }
0xb5: {  	v14 =	vsel vm0, $0xFFFFFFFF, v14  }
0xb6: {  	vm0 =	vge.f32 v10, v5;
	[tilespmem:$0x1FE90] =	vst v14;
	v14 =	vimm.s32 $0x0  }
0xb7: {  	v14 =	vsel vm0, $0xFFFFFFFF, v14  }
0xb8: {  	vm0 =	vge.f32 v10, v6;
	[tilespmem:$0x1FEA0] =	vst v14;
	v14 =	vimm.s32 $0x0  }
0xb9: {  	[tilespmem:$0x1FFE0] =	vst v11;
	v14 =	vsel vm0, $0xFFFFFFFF, v14  }
0xba: {  	v11 =	vld [tilespmem:s12+$0xFFFFFFD0];
	vm0 =	vge.f32 v10, v7;
	[tilespmem:$0x1FEF0] =	vst v14;
	v14 =	vimm.s32 $0x0  }
0xbb: {  	vm2 =	vge.f32 v10, v1;
	vm12 =	vge.f32 v10, v2;
	v14 =	vsel vm0, $0xFFFFFFFF, v14  }
0xbc: {  	vm11 =	vge.f32 v10, v3;
	vm0 =	vge.f32 v10, v8;
	[tilespmem:$0x1FF00] =	vst v14;
	v14 =	vimm.s32 $0x0  }
0xbd: {  	v14 =	vsel vm0, $0xFFFFFFFF, v14;
	vm0 =	vge.f32 v10, v9;
	v10 =	vimm.s32 $0x0  }
0xbe: {  	v10 =	vsel vm0, $0xFFFFFFFF, v10  }
0xbf: {  	vm0 =	vge.f32 v11, v5;
	[tilespmem:$0x1FFA0] =	vst v10;
	v10 =	vimm.s32 $0x0  }
0xc0: {  	v10 =	vsel vm0, $0xFFFFFFFF, v10  }
0xc1: {  	vm0 =	vge.f32 v11, v6;
	[tilespmem:$0x1FE80] =	vst v10;
	v10 =	vimm.s32 $0x0  }
0xc2: {  	v10 =	vsel vm0, $0xFFFFFFFF, v10  }
0xc3: {  	vm0 =	vge.f32 v11, v7;
	[tilespmem:$0x1FF10] =	vst v10;
	v10 =	vimm.s32 $0x0  }
0xc4: {  	[tilespmem:$0x1FFC0] =	vst v13;
	v13 =	vld [tilespmem:s12+$0xFFFFFFC0];
	v10 =	vsel vm0, $0xFFFFFFFF, v10  }
0xc5: {  	vm4 =	vge.f32 v11, v8;
	[tilespmem:$0x1FF20] =	vst v10;
	v10 =	vimm.s32 $0x0  }
0xc6: {  	v10 =	vsel vm4, $0xFFFFFFFF, v10  }
0xc7: {  	vm4 =	vge.f32 v11, v9;
	[tilespmem:$0x1FF70] =	vst v10;
	v10 =	vimm.s32 $0x0  }
0xc8: {  	v10 =	vsel vm4, $0xFFFFFFFF, v10  }
0xc9: {  	vm15 =	vge.f32 v13, v6;
	[tilespmem:$0x1FF80] =	vst v10;
	v10 =	vimm.s32 $0x0  }
0xca: {  	v10 =	vsel vm15, $0xFFFFFFFF, v10  }
0xcb: {  	vm15 =	vge.f32 v13, v7;
	[tilespmem:$0x1FF30] =	vst v10;
	v10 =	vimm.s32 $0x0  }
0xcc: {  	v10 =	vsel vm15, $0xFFFFFFFF, v10  }
0xcd: {  	vm15 =	vge.f32 v13, v8;
	[tilespmem:$0x1FF40] =	vst v10;
	v10 =	vimm.s32 $0x0  }
0xce: {  	v10 =	vsel vm15, $0xFFFFFFFF, v10  }
0xcf: {  	vm15 =	vge.f32 v13, v9;
	[tilespmem:$0x1FF50] =	vst v10;
	v10 =	vimm.s32 $0x0  }
0xd0: {  	v10 =	vsel vm15, $0xFFFFFFFF, v10  }
0xd1: {  	vm1 =	vge.f32 v11, v1;
	[tilespmem:$0x1FF60] =	vst v10;
	v10 =	vld [tilespmem:$0x1FC70]  }
0xd2: {  	vm10 =	vge.f32 v11, v2;
	vm9 =	vge.f32 v11, v3;
	vm13 =	vge.f32 v11, v4;
	v11 =	vld [tilespmem:$0x1FC80];
	_ =	sdelay $0x3  }
0xd3: {  	vm0 =	vge.f32 v13, v1;
	vm15 =	vnez.u8 v10  }
0xd4: {  	v10 =	vsel vm0, $0x3F800000, v0;
	vm0 =	vmmov vm3;
	vm3 =	vnez.u8 v11;
	v11 =	vld [tilespmem:$0x1FC90]  }
0xd5: {  	v12 =	vadd.f32 v10, v12;
	v10 =	vld [tilespmem:$0x1FCA0];
	_ =	sdelay $0x3  }
0xd6: {  	v26 =	vsel vm3, $0x3F800000, v0;
	vm3 =	vnez.u8 v11  }
0xd7: {  	v27 =	vsel vm3, $0x3F800000, v0;
	vm3 =	vnez.u8 v10;
	v10 =	vld [tilespmem:$0x1FCB0];
	_ =	sdelay $0x3  }
0xd8: {  	vm6 =	vge.f32 v13, v3  }
0xd9: {  	vm5 =	vge.f32 v13, v4;
	v28 =	vsel vm3, $0x3F800000, v0;
	vm3 =	vnez.u8 v10;
	v10 =	vld [tilespmem:$0x1FCC0]  }
0xda: {  	vm7 =	vge.f32 v13, v5;
	vm4 =	vge.f32 v13, v2;
	v13 =	vsel vm1, $0x3F800000, v0;
	v11 =	vld [tilespmem:$0x1FCD0]  }
0xdb: {  	v12 =	vadd.f32 v13, v12;
	v13 =	vld [tilespmem:$0x1FCE0];
	_ =	sdelay $0x2  }
0xdc: {  	vm1 =	vnez.u8 v10  }
0xdd: {  	v10 =	vsel vm1, $0x3F800000, v0;
	vm1 =	vnez.u8 v11  }
0xde: {  	v11 =	vsel vm1, $0x3F800000, v0;
	vm1 =	vnez.u8 v13;
	v13 =	vld [tilespmem:$0x1FCF0]  }
0xdf: {  	[tilespmem:$0x1FF90] =	vst v14;
	v14 =	vld [tilespmem:$0x1FD00];
	_ =	sdelay $0x3  }
0xe0: {  	v30 =	vsel vm1, $0x3F800000, v0;
	vm1 =	vnez.u8 v13  }
0xe1: {  	v13 =	vsel vm2, $0x3F800000, v0;
	v31 =	vsel vm1, $0x3F800000, v0;
	vm1 =	vnez.u8 v14;
	v14 =	vld [tilespmem:$0x1FD10]  }
0xe2: {  	v12 =	vadd.f32 v13, v12;
	v13 =	vld [tilespmem:$0x1FD20];
	_ =	sdelay $0x3  }
0xe3: {  	v32 =	vsel vm1, $0x3F800000, v0;
	vm1 =	vnez.u8 v14  }
0xe4: {  	v33 =	vsel vm1, $0x3F800000, v0;
	vm1 =	vnez.u8 v13;
	v13 =	vld [tilespmem:$0x1FD30]  }
0xe5: {  	v14 =	vld [tilespmem:$0x1FD40];
	_ =	sdelay $0x3  }
0xe6: {  	v34 =	vsel vm1, $0x3F800000, v0;
	vm1 =	vnez.u8 v13  }
0xe7: {  	v19 =	vsel vm8, $0x3F800000, v0;
	v13 =	vsel vm1, $0x3F800000, v0;
	vm1 =	vnez.u8 v14;
	v14 =	vld [tilespmem:$0x1FD50]  }
0xe8: {  	v12 =	vadd.f32 v19, v12;
	v19 =	vld [tilespmem:$0x1FD60];
	_ =	sdelay $0x3  }
0xe9: {  	v35 =	vsel vm1, $0x3F800000, v0;
	vm1 =	vnez.u8 v14  }
0xea: {  	v14 =	vsel vm1, $0x3F800000, v0;
	vm1 =	vnez.u8 v19;
	v19 =	vld [tilespmem:$0x1FD70];
	_ =	sdelay $0x4  }
0xeb: {  	v36 =	vsel vm1, $0x3F800000, v0;
	vm1 =	vnez.u8 v19;
	v19 =	vld [tilespmem:$0x1FD80]  }
0xec: {  	vm14 =	vge.f32 v20, v9;
	v20 =	vld [tilespmem:$0x1FD90];
	_ =	sdelay $0x3  }
0xed: {  	v37 =	vsel vm1, $0x3F800000, v0;
	vm1 =	vnez.u8 v19  }
0xee: {  	v19 =	vsel vm1, $0x3F800000, v0;
	vm1 =	vnez.u8 v20;
	v20 =	vld [tilespmem:$0x1FDA0];
	_ =	sdelay $0x3  }
0xef: {  	v12 =	vadd.f32 v19, v12;
	v19 =	vld [tilespmem:$0x1FDB0]  }
0xf0: {  	v38 =	vsel vm1, $0x3F800000, v0;
	vm1 =	vnez.u8 v20;
	v20 =	vld [tilespmem:$0x1FDC0]  }
0xf1: {  	v40 =	vld [tilespmem:$0x1FDD0]  }
0xf2: {  	v41 =	vld [tilespmem:$0x1FDE0];
	v63 =	vsel vm5, $0x3F800000, v0;
	v12 =	vadd.f32 v35, v12  }
0xf3: {  	v42 =	vld [tilespmem:$0x1FDF0];
	v17 =	vadd.f32 v63, v17  }
0xf4: {  	v43 =	vld [tilespmem:$0x1FE00];
	v12 =	vadd.f32 v30, v12;
	v39 =	vsel vm1, $0x3F800000, v0;
	vm1 =	vnez.u8 v19  }
0xf5: {  	v44 =	vld [tilespmem:$0x1FE10];
	v25 =	vsel vm15, $0x3F800000, v0;
	v19 =	vsel vm1, $0x3F800000, v0;
	vm1 =	vnez.u8 v20  }
0xf6: {  	v60 =	vld [tilespmem:$0x1FE20];
	v12 =	vadd.f32 v25, v12;
	v20 =	vsel vm1, $0x3F800000, v0;
	vm1 =	vnez.u8 v40  }
0xf7: {  	v45 =	vld [tilespmem:$0x1FE30];
	v25 =	vsel vm7, $0x3F800000, v0;
	v40 =	vsel vm1, $0x3F800000, v0;
	vm1 =	vnez.u8 v41  }
0xf8: {  	v46 =	vld [tilespmem:$0x1FE40];
	v16 =	vadd.f32 v25, v16;
	v41 =	vsel vm1, $0x3F800000, v0;
	vm1 =	vnez.u8 v42  }
0xf9: {  	v54 =	vld [tilespmem:$0x1FE80];
	v25 =	vsel vm13, $0x3F800000, v0;
	v42 =	vsel vm1, $0x3F800000, v0;
	vm1 =	vnez.u8 v43  }
0xfa: {  	v17 =	vadd.f32 v25, v17;
	v25 =	vld [tilespmem:$0x1FE90];
	v43 =	vsel vm1, $0x3F800000, v0;
	vm1 =	vnez.u8 v44  }
0xfb: {  	v44 =	vsel vm1, $0x3F800000, v0;
	vm1 =	vnez.u8 v60  }
0xfc: {  	v35 =	vsel vm1, $0x3F800000, v0;
	vm1 =	vnez.u8 v45  }
0xfd: {  	v45 =	vsel vm1, $0x3F800000, v0;
	vm1 =	vnez.u8 v46  }
0xfe: {  	v46 =	vsel vm1, $0x3F800000, v0;
	vm1 =	vnez.u8 v54  }
0xff: {  	v30 =	vsel vm1, $0x3F800000, v0;
	vm1 =	vnez.u8 v25  }
0x100: {  	v55 =	vld [tilespmem:$0x1FEA0];
	v61 =	vsel vm4, $0x3F800000, v0;
	v25 =	vsel vm1, $0x3F800000, v0  }
0x101: {  	v18 =	vadd.f32 v61, v18;
	v17 =	vadd.f32 v25, v17;
	v25 =	vld [tilespmem:$0x1FEB0]  }
0x102: {  	v62 =	vsel vm10, $0x3F800000, v0;
	v51 =	vsel vm6, $0x3F800000, v0  }
0x103: {  	v15 =	vadd.f32 v51, v15;
	v18 =	vadd.f32 v62, v18  }
0x104: {  	v47 =	vsel vm12, $0x3F800000, v0;
	v48 =	vsel vm11, $0x3F800000, v0;
	v50 =	vsel vm9, $0x3F800000, v0  }
0x105: {  	v15 =	vadd.f32 v50, v15;
	v18 =	vadd.f32 v47, v18;
	vm1 =	vnez.u8 v55  }
0x106: {  	v16 =	vadd.f32 v30, v16;
	v30 =	vsel vm1, $0x3F800000, v0;
	vm1 =	vnez.u8 v25  }
0x107: {  	v56 =	vld [tilespmem:$0x1FEC0];
	v15 =	vadd.f32 v48, v15;
	v25 =	vsel vm1, $0x3F800000, v0  }
0x108: {  	v18 =	vadd.f32 v35, v18;
	v17 =	vadd.f32 v25, v17;
	v25 =	vld [tilespmem:$0x1FED0]  }
0x109: {  	v57 =	vld [tilespmem:$0x1FEE0]  }
0x10a: {  	v58 =	vld [tilespmem:$0x1FEF0];
	v15 =	vadd.f32 v45, v15;
	v18 =	vadd.f32 v40, v18  }
0x10b: {  	v59 =	vld [tilespmem:$0x1FF00]  }
0x10c: {  	v60 =	vld [tilespmem:$0x1FF10];
	v15 =	vadd.f32 v41, v15;
	v18 =	vadd.f32 v36, v18;
	vm1 =	vnez.u8 v56  }
0x10d: {  	v61 =	vld [tilespmem:$0x1FF20];
	v16 =	vadd.f32 v30, v16;
	v30 =	vsel vm1, $0x3F800000, v0;
	vm1 =	vnez.u8 v25  }
0x10e: {  	v62 =	vld [tilespmem:$0x1FF30];
	v18 =	vadd.f32 v31, v18;
	v25 =	vsel vm1, $0x3F800000, v0;
	vm1 =	vnez.u8 v57  }
0x10f: {  	v63 =	vld [tilespmem:$0x1FF40];
	v16 =	vadd.f32 v30, v16;
	v30 =	vsel vm1, $0x3F800000, v0;
	vm1 =	vnez.u8 v58  }
0x110: {  	v18 =	vadd.f32 v26, v18;
	v26 =	vld [tilespmem:$0x1FF50];
	v35 =	vsel vm1, $0x3F800000, v0;
	vm1 =	vnez.u8 v59  }
0x111: {  	v40 =	vsel vm1, $0x3F800000, v0;
	vm1 =	vnez.u8 v60  }
0x112: {  	v15 =	vadd.f32 v37, v15;
	v36 =	vsel vm1, $0x3F800000, v0;
	vm1 =	vnez.u8 v61  }
0x113: {  	v37 =	vsel vm1, $0x3F800000, v0;
	vm1 =	vnez.u8 v62  }
0x114: {  	v15 =	vadd.f32 v32, v15;
	v31 =	vsel vm1, $0x3F800000, v0;
	vm1 =	vnez.u8 v63  }
0x115: {  	v32 =	vsel vm1, $0x3F800000, v0;
	vm1 =	vnez.u8 v26  }
0x116: {  	v15 =	vadd.f32 v27, v15;
	v27 =	vld [tilespmem:$0x1FF60];
	v26 =	vsel vm1, $0x3F800000, v0  }
0x117: {  	v23 =	vadd.f32 v26, v23;
	v26 =	vld [tilespmem:$0x1FF70];
	_ =	sdelay $0x3  }
0x118: {  	vm1 =	vnez.u8 v27  }
0x119: {  	v27 =	vsel vm1, $0x3F800000, v0;
	vm1 =	vnez.u8 v26  }
0x11a: {  	v24 =	vadd.f32 v27, v24;
	v27 =	vld [tilespmem:$0x1FF80];
	v26 =	vsel vm1, $0x3F800000, v0  }
0x11b: {  	v23 =	vadd.f32 v26, v23;
	v26 =	vld [tilespmem:$0x1FF90];
	_ =	sdelay $0x3  }
0x11c: {  	vm1 =	vnez.u8 v27  }
0x11d: {  	v27 =	vsel vm1, $0x3F800000, v0;
	vm1 =	vnez.u8 v26  }
0x11e: {  	v24 =	vadd.f32 v27, v24;
	v27 =	vld [tilespmem:$0x1FFA0];
	v26 =	vsel vm1, $0x3F800000, v0  }
0x11f: {  	v21 =	vadd.f32 v31, v21;
	v23 =	vadd.f32 v26, v23;
	v26 =	vld [tilespmem:$0x1FFB0];
	_ =	sdelay $0x1  }
0x120: {  	v21 =	vadd.f32 v36, v21;
	_ =	sdelay $0x1  }
0x121: {  	v21 =	vadd.f32 v35, v21;
	vm1 =	vnez.u8 v27  }
0x122: {  	v27 =	vsel vm1, $0x3F800000, v0;
	vm1 =	vnez.u8 v26  }
0x123: {  	v21 =	vadd.f32 v25, v21;
	v25 =	vld [tilespmem:$0x1FFC0];
	v26 =	vsel vm1, $0x3F800000, v0  }
0x124: {  	v26 =	vadd.f32 v26, v23;
	v23 =	vld [tilespmem:$0x1FFD0];
	_ =	sdelay $0x3  }
0x125: {  	vm1 =	vnez.u8 v25  }
0x126: {  	v25 =	vsel vm1, $0x3F800000, v0;
	vm1 =	vnez.u8 v23;
	v23 =	vadd.f32 v44, v21;
	v21 =	vld [tilespmem:$0x1FFE0];
	_ =	sdelay $0x2  }
0x127: {  	v24 =	vadd.f32 v27, v24  }
0x128: {  	v53 =	vld [tilespmem:$0x1FE70];
	v22 =	vadd.f32 v32, v22  }
0x129: {  	v52 =	vld [tilespmem:$0x1FE60];
	v24 =	vadd.f32 v25, v24;
	v25 =	vsel vm1, $0x3F800000, v0;
	vm1 =	vnez.u8 v21  }
0x12a: {  	v49 =	vld [tilespmem:$0x1FE50];
	v17 =	vadd.f32 v42, v17;
	v16 =	vadd.f32 v43, v16;
	v21 =	vsel vm1, $0x3F800000, v0  }
0x12b: {  	s11 =	sadd.s32 $0x8, s11;
	v22 =	vadd.f32 v37, v22;
	v21 =	vadd.f32 v21, v24;
	v24 =	vld [tilespmem:$0x1FFF0]  }
0x12c: {  	p0 =	slt.u32 s11, $0xB8;
	v17 =	vadd.f32 v38, v17;
	v16 =	vadd.f32 v39, v16  }
.Ltmp0:
0x12d: {  	vm5 =	vnez.u8 v53;
	v22 =	vadd.f32 v40, v22;
	(pc) =	sbr.rel @p0 .LBB2_2-.Ltmp0, $4  }
0x12e: {  	vm4 =	vnez.u8 v52;
	v17 =	vadd.f32 v33, v17;
	v16 =	vadd.f32 v34, v16  }
0x12f: {  	v29 =	vsel vm3, $0x3F800000, v0;
	vm3 =	vnez.u8 v49;
	v22 =	vadd.f32 v30, v22  }
0x130: {  	v17 =	vadd.f32 v28, v17;
	v16 =	vadd.f32 v29, v16;
	vm1 =	vnez.u8 v24  }
0x131: {  	s12 =	sadd.s32 $0x80, s12;
	v22 =	vadd.f32 v46, v22;
	v25 =	vadd.f32 v25, v26;
	v24 =	vsel vm1, $0x3F800000, v0  }
0x132: {  	v1 =	vld [tilespmem:$0xC00]  }
0x133: {  	v3 =	vld [tilespmem:$0xD00]  }
0x134: {  	v7 =	vld [tilespmem:$0xD80]  }
0x135: {  	v9 =	vld [tilespmem:$0xE00]  }
0x136: {  	v56 =	vld [tilespmem:$0xE80]  }
0x137: {  	v2 =	vadd.f32 v19, v23;
	v5 =	vsel vm0, $0x3F800000, v0;
	v58 =	vld [tilespmem:$0xF00];
	v4 =	vadd.f32 v20, v22  }
0x138: {  	v8 =	vsel vm5, $0x3F800000, v0;
	v60 =	vld [tilespmem:$0xF80];
	v6 =	vadd.f32 v24, v25;
	v5 =	vadd.f32 v5, v21  }
0x139: {  	v55 =	vsel vm14, $0x3F800000, v0;
	v62 =	vld [tilespmem:$0x1000];
	v2 =	vadd.f32 v13, v2;
	v4 =	vadd.f32 v14, v4  }
0x13a: {  	v57 =	vsel vm4, $0x3F800000, v0;
	v28 =	vld [tilespmem:$0xC10];
	v6 =	vadd.f32 v8, v6;
	v5 =	vadd.f32 v55, v5  }
0x13b: {  	v59 =	vsel vm3, $0x3F800000, v0;
	v2 =	vadd.f32 v10, v2;
	v4 =	vadd.f32 v11, v4  }
0x13c: {  	vm5 =	vge.f32 v1, v3;
	v6 =	vadd.f32 v57, v6;
	vm6 =	vge.f32 v1, v7  }
0x13d: {  	v24 =	vld [tilespmem:$0x1080];
	v5 =	vadd.f32 v59, v5;
	vm7 =	vge.f32 v1, v9;
	vm1 =	vge.f32 v1, v56  }
0x13e: {  	v25 =	vld [tilespmem:$0x1100];
	vm8 =	vge.f32 v1, v58;
	vm9 =	vge.f32 v1, v60;
	vm10 =	vge.f32 v1, v62  }
0x13f: {  	vm13 =	vge.f32 v28, v3;
	vm14 =	vge.f32 v28, v7;
	vm15 =	vge.f32 v28, v9  }
0x140: {  	vm4 =	vge.f32 v28, v56;
	v61 =	vsel vm5, $0x3F800000, v0;
	v23 =	vsel vm6, $0x3F800000, v0  }
0x141: {  	v38 =	vld [tilespmem:$0xC20];
	v26 =	vsel vm7, $0x3F800000, v0;
	v27 =	vsel vm1, $0x3F800000, v0;
	v29 =	vsel vm8, $0x3F800000, v0  }
0x142: {  	v30 =	vsel vm9, $0x3F800000, v0;
	v31 =	vsel vm10, $0x3F800000, v0;
	vm11 =	vge.f32 v1, v24  }
0x143: {  	vm12 =	vge.f32 v1, v25;
	v33 =	vsel vm13, $0x3F800000, v0;
	v35 =	vsel vm14, $0x3F800000, v0  }
0x144: {  	v36 =	vsel vm15, $0x3F800000, v0;
	v37 =	vsel vm4, $0x3F800000, v0;
	vm5 =	vge.f32 v28, v58  }
0x145: {  	vm6 =	vge.f32 v28, v60;
	vm7 =	vge.f32 v28, v62;
	vm8 =	vge.f32 v28, v24  }
0x146: {  	vm9 =	vge.f32 v28, v25;
	vm10 =	vge.f32 v38, v3;
	vm13 =	vge.f32 v38, v56  }
0x147: {  	vm14 =	vge.f32 v38, v58;
	v63 =	vadd.f32 v61, v12;
	v12 =	vadd.f32 v23, v18  }
0x148: {  	vm15 =	vge.f32 v38, v60;
	v15 =	vadd.f32 v26, v15;
	v17 =	vadd.f32 v27, v17  }
0x149: {  	vm4 =	vge.f32 v38, v62;
	v16 =	vadd.f32 v29, v16;
	v2 =	vadd.f32 v30, v2  }
0x14a: {  	v49 =	vld [tilespmem:$0xC30];
	v4 =	vadd.f32 v31, v4;
	v32 =	vsel vm11, $0x3F800000, v0;
	v1 =	vsel vm12, $0x3F800000, v0  }
0x14b: {  	v40 =	vsel vm5, $0x3F800000, v0;
	v41 =	vsel vm6, $0x3F800000, v0;
	v42 =	vsel vm7, $0x3F800000, v0  }
0x14c: {  	v43 =	vsel vm8, $0x3F800000, v0;
	v44 =	vsel vm9, $0x3F800000, v0;
	v45 =	vsel vm10, $0x3F800000, v0  }
0x14d: {  	vm11 =	vge.f32 v38, v7;
	vm12 =	vge.f32 v38, v9;
	v48 =	vsel vm13, $0x3F800000, v0  }
0x14e: {  	v50 =	vsel vm14, $0x3F800000, v0;
	v51 =	vsel vm15, $0x3F800000, v0;
	v52 =	vsel vm4, $0x3F800000, v0  }
0x14f: {  	vm5 =	vge.f32 v38, v24;
	vm6 =	vge.f32 v38, v25;
	vm7 =	vge.f32 v49, v3  }
0x150: {  	vm8 =	vge.f32 v49, v7;
	vm9 =	vge.f32 v49, v9;
	vm10 =	vge.f32 v49, v56  }
0x151: {  	vm13 =	vge.f32 v49, v62;
	vm14 =	vge.f32 v49, v24;
	v6 =	vadd.f32 v32, v6  }
0x152: {  	vm15 =	vge.f32 v49, v25;
	v1 =	vadd.f32 v1, v5;
	v34 =	vadd.f32 v33, v63  }
0x153: {  	v46 =	vsel vm11, $0x3F800000, v0;
	v11 =	vadd.f32 v35, v12;
	v12 =	vadd.f32 v36, v15  }
0x154: {  	v47 =	vsel vm12, $0x3F800000, v0;
	v39 =	vadd.f32 v37, v17;
	v16 =	vadd.f32 v40, v16  }
0x155: {  	v53 =	vsel vm5, $0x3F800000, v0;
	v2 =	vadd.f32 v41, v2;
	v4 =	vadd.f32 v42, v4  }
0x156: {  	v3 =	vsel vm6, $0x3F800000, v0;
	v6 =	vadd.f32 v43, v6;
	v1 =	vadd.f32 v44, v1  }
0x157: {  	v54 =	vsel vm7, $0x3F800000, v0;
	v5 =	vadd.f32 v45, v34;
	v11 =	vadd.f32 v46, v11  }
0x158: {  	v55 =	vsel vm8, $0x3F800000, v0;
	v12 =	vadd.f32 v47, v12;
	v15 =	vadd.f32 v48, v39  }
0x159: {  	v56 =	vsel vm9, $0x3F800000, v0;
	v16 =	vadd.f32 v50, v16;
	v2 =	vadd.f32 v51, v2  }
0x15a: {  	v8 =	vsel vm10, $0x3F800000, v0;
	v4 =	vadd.f32 v52, v4;
	v1 =	vadd.f32 v3, v1  }
0x15b: {  	v63 =	vsel vm15, $0x3F800000, v0;
	v6 =	vadd.f32 v53, v6;
	v3 =	vadd.f32 v54, v5  }
0x15c: {  	vm11 =	vge.f32 v49, v58;
	v5 =	vadd.f32 v55, v11;
	v1 =	vadd.f32 v63, v1  }
0x15d: {  	vm12 =	vge.f32 v49, v60;
	v7 =	vadd.f32 v56, v12;
	v58 =	vsub.f32 $1.960000000e+02, v3  }
0x15e: {  	v57 =	vsel vm11, $0x3F800000, v0;
	v8 =	vadd.f32 v8, v15;
	v3 =	vsub.f32 v3, v5;
	[tilespmem:$0x1900] =	vst v1  }
0x15f: {  	v59 =	vsel vm12, $0x3F800000, v0;
	v9 =	vadd.f32 v57, v16;
	v5 =	vsub.f32 v5, v7;
	[tilespmem:$0x1480] =	vst v58  }
0x160: {  	v60 =	vsel vm13, $0x3F800000, v0;
	v2 =	vadd.f32 v59, v2;
	[tilespmem:$0x1500] =	vst v3;
	v3 =	vsub.f32 v7, v8  }
0x161: {  	v61 =	vsel vm14, $0x3F800000, v0;
	v4 =	vadd.f32 v60, v4;
	v62 =	vsub.f32 v8, v9;
	[tilespmem:$0x1580] =	vst v5  }
0x162: {  	v6 =	vadd.f32 v61, v6;
	[tilespmem:$0x1600] =	vst v3;
	v3 =	vsub.f32 v9, v2  }
0x163: {  	[tilespmem:$0x1680] =	vst v62;
	v2 =	vsub.f32 v2, v4  }
0x164: {  	[tilespmem:$0x1700] =	vst v3;
	v3 =	vsub.f32 v4, v6  }
0x165: {  	s10 =	sadd.s32 $0x1, s10;
	[tilespmem:$0x1780] =	vst v2;
	v2 =	vsub.f32 v6, v1  }
0x166: {  	p0 =	sne.s32 s10, s6;
	[tilespmem:$0x1800] =	vst v3  }
.Ltmp1:
0x167: {  	[tilespmem:$0x1880] =	vst v2;
	(pc) =	sbr.rel @p0 .LBB2_1-.Ltmp1, $4  }
0x168: {  	[hbm4b:s5+s3] =	stream.linear.scatter [tilespmem:s9], [sflag:$0x1], $0x500, $0x38;
	[tilespmem:$0x1C80] =	vst v63  }
0x169: {  	_ =	swait.ge [sflag:s7], $0x500  }
0x16a: {  	[sflag:s7] =	ssyncset.done $0x0  }
0x16b: {  	[sflag:s7] =	ssyncadd.s32 $0xFFFFFB00  }
0x16c: {  	_ =	sfence.sel $0x180000  }
0x16d: {  	[bflag:$0x0] =	sbarrier.arrive $0xFFFF  }
0x16e: {  	p0 =	sne.s32 s0, $0x0;
	_ =	strace $0x90000047  }
0x16f: {  	s0 =	sadd.s32 @!p0 $0x100000, s1;
	[bflag:$0x2] =	sbarrier.arrive $0xFFFF  }
0x170: {  	[sflag:s0] =	ssyncadd.tile.s32 @!p0 $0x1;
	_ =	shalt  }
.Lfunc_end2:
_tile_overlayer_lowered:
.L_overlay_start_2:
0x171: {  	(tag) =	ssettag $0x2  }
0x172: {  	s0 =	rddreg [dreg:$0x0];
	s2 =	stileid.u32  }
0x173: {  	s1 =	rddreg [dreg:$0x1];
	p0 =	sne.s32 s2, $0x0  }
0x174: {  	s3 =	rddreg [dreg:$0x2];
	[bflag:$0x3] =	sbarrier.arrive $0xFFFF;
	s2 =	simm.s32 @!p0 $0x1C01  }
0x175: {  	[timem:s3], [sflag:s2] =	dma.local @!p0 [hbm:s0], s1  }
0x176: {  	s0 =	simm.s32 @!p0 $0x1  }
0x177: {  	_ =	swait.ge @!p0 [sflag:s0], s1  }
0x178: {  	s1 =	ssub.s32 @!p0 $0x0, s1;
	[sflag:s0] =	ssyncset.done @!p0 $0x0  }
0x179: {  	[sflag:s0] =	ssyncadd.s32 @!p0 s1  }
0x17a: {  	[bflag:$0x3] =	sbarrier.arrive $0xFFFF  }
0x17b: {  	_ =	shalt  }

</sc_bundles>
